<compile_context>
chip_gen: v7x
topology: tpu7x:2x2x1
jax: 0.10.2.dev20260603
libtpu: 0.0.44.dev20260713+nightly
codegen_flags: <defaults>
</compile_context>

<pallas_src>
import functools

import jax
import jax.numpy as jnp
from jax import lax
from jax.experimental import pallas as pl
from jax.experimental.pallas import tpu as pltpu
from jax.experimental.pallas import tpu_sc as plsc

N = 10000
D = 128
K = 32
E = 320000

NPAD = 10240
NW = 32
RD = NPAD // NW
RZ = NPAD // 16
CHUNK = 128
EPT = 10240
NCHUNK = EPT // CHUNK
EPAD = NW * EPT

@functools.cache
def _sc_kernels():
    mesh = plsc.VectorSubcoreMesh(core_axis_name="c", subcore_axis_name="s")
    densify = functools.partial(
        pl.kernel,
        out_type=jax.ShapeDtypeStruct((NPAD * D,), jnp.float32),
        mesh=mesh,
        scratch_types=[
            pltpu.VMEM((RD * D,), jnp.float32),
            pltpu.VMEM((RD, K), jnp.int32),
            pltpu.VMEM((RD, K), jnp.float32),
        ],
        compiler_params=pltpu.CompilerParams(
            needs_layout_passes=False, use_tc_tiling_on_sc=False
        ),
    )(_densify_body)
    spmm = functools.partial(
        pl.kernel,
        out_type=[
            jax.ShapeDtypeStruct((2, NPAD, D), jnp.float32),
            jax.ShapeDtypeStruct((2, NPAD, 16), jnp.float32),
        ],
        mesh=mesh,
        scratch_types=[
            pltpu.VMEM_SHARED((NPAD, D), jnp.float32),
            pltpu.VMEM_SHARED((NPAD, 16), jnp.float32),
            pltpu.VMEM((CHUNK, D), jnp.float32),
            pltpu.VMEM((NCHUNK, CHUNK), jnp.int32),
            pltpu.VMEM((NCHUNK, CHUNK), jnp.int32),
            pltpu.VMEM((CHUNK, 16), jnp.float32),
            pltpu.SemaphoreType.DMA,
        ],
        compiler_params=pltpu.CompilerParams(
            needs_layout_passes=False, use_tc_tiling_on_sc=False
        ),
    )(_spmm_body)
    return densify, spmm


def _densify_body(idx_hbm, val_hbm, dense_hbm, buf, idxv, valv):
    c = lax.axis_index("c")
    s = lax.axis_index("s")
    wid = s * 2 + c
    base = wid * RD

    @pl.loop(0, RD * D // 16)
    def _zero(i):
        buf[pl.ds(i * 16, 16)] = jnp.zeros((16,), jnp.float32)

    pltpu.sync_copy(idx_hbm.at[pl.ds(base, RD)], idxv)
    pltpu.sync_copy(val_hbm.at[pl.ds(base, RD)], valv)

    @pl.loop(0, RD)
    def _scatter(r):
        roff = jnp.full((16,), 0, jnp.int32) + r * D
        for h in range(K // 16):
            iv = idxv[r, pl.ds(h * 16, 16)]
            vv = valv[r, pl.ds(h * 16, 16)]
            plsc.store_scatter(buf, [roff + iv], vv)

    pltpu.sync_copy(buf, dense_hbm.at[pl.ds(base * D, RD * D)])


def _spmm_body(dense_hbm, src_hbm, dst_hbm, part_hbm, cnt_hbm,
               acc, cnt, rows, srcv, dstv, ones, sem):
    c = lax.axis_index("c")
    s = lax.axis_index("s")
    wid = s * 2 + c

    @pl.loop(0, CHUNK)
    def _zr(r):
        for h in range(D // 16):
            rows[r, pl.ds(h * 16, 16)] = jnp.zeros((16,), jnp.float32)

    @pl.loop(0, CHUNK)
    def _zo(r):
        ones[r, :] = jnp.zeros((16,), jnp.float32)

    @pl.loop(0, RZ // CHUNK)
    def _za(i):
        pltpu.sync_copy(rows, acc.at[pl.ds(s * RZ + i * CHUNK, CHUNK)])
        pltpu.sync_copy(ones, cnt.at[pl.ds(s * RZ + i * CHUNK, CHUNK)])

    @pl.loop(0, CHUNK)
    def _so(r):
        ones[r, :] = jnp.zeros((16,), jnp.float32) + 1.0

    plsc.subcore_barrier()

    pltpu.sync_copy(src_hbm.at[wid], srcv)
    pltpu.sync_copy(dst_hbm.at[wid], dstv)

    @pl.loop(0, NCHUNK)
    def _edges(g):
        pltpu.async_copy(dense_hbm.at[srcv.at[g]], rows, sem).wait()
        pltpu.sync_copy(rows, acc.at[dstv.at[g]], add=True)
        pltpu.sync_copy(ones, cnt.at[dstv.at[g]], add=True)

    plsc.subcore_barrier()

    @pl.loop(0, RZ // CHUNK)
    def _wb(i):
        b = s * RZ + i * CHUNK
        pltpu.sync_copy(acc.at[pl.ds(b, CHUNK)], rows)
        pltpu.sync_copy(rows, part_hbm.at[c, pl.ds(b, CHUNK)])
        pltpu.sync_copy(cnt.at[pl.ds(b, CHUNK)], ones)
        pltpu.sync_copy(ones, cnt_hbm.at[c, pl.ds(b, CHUNK)])


BLK = 1280


def _final_body(feat_ref, p_ref, c_ref, wn_ref, ws_ref, b_ref, o_ref):
    cnt = c_ref[0] + c_ref[1]
    deg = jnp.maximum(cnt[:, 0:1], 1.0)
    agg = (p_ref[0] + p_ref[1]) / deg
    hn = lax.dot_general(agg, wn_ref[...], (((1,), (1,)), ((), ())),
                         preferred_element_type=jnp.float32)
    hs = lax.dot_general(feat_ref[...], ws_ref[...], (((1,), (1,)), ((), ())),
                         preferred_element_type=jnp.float32)
    o_ref[...] = hs + b_ref[...] + hn


def _final(featp, part, cntp, w_neigh, w_self, b_self):
    return pl.pallas_call(
        _final_body,
        grid=(NPAD // BLK,),
        in_specs=[
            pl.BlockSpec((BLK, D), lambda i: (i, 0)),
            pl.BlockSpec((2, BLK, D), lambda i: (0, i, 0)),
            pl.BlockSpec((2, BLK, 16), lambda i: (0, i, 0)),
            pl.BlockSpec((D, D), lambda i: (0, 0)),
            pl.BlockSpec((D, D), lambda i: (0, 0)),
            pl.BlockSpec((1, D), lambda i: (0, 0)),
        ],
        out_specs=pl.BlockSpec((BLK, D), lambda i: (i, 0)),
        out_shape=jax.ShapeDtypeStruct((NPAD, D), jnp.float32),
    )(featp, part, cntp, w_neigh, w_self, b_self.reshape(1, D))


def kernel(feat, topk_values, topk_indices, edge_index, W_neigh, W_self, b_self):
    ti = jnp.pad(topk_indices.astype(jnp.int32), ((0, NPAD - N), (0, 0)))
    tv = jnp.pad(topk_values, ((0, NPAD - N), (0, 0)))

    src = edge_index[0].astype(jnp.int32)
    dst = edge_index[1].astype(jnp.int32)
    pad_e = EPAD - E
    pad_src = jnp.arange(pad_e, dtype=jnp.int32) % N
    pad_dst = N + jnp.arange(pad_e, dtype=jnp.int32) % (NPAD - N)
    src_p = jnp.concatenate([src, pad_src]).reshape(NW, NCHUNK, CHUNK)
    dst_p = jnp.concatenate([dst, pad_dst]).reshape(NW, NCHUNK, CHUNK)

    densify, spmm = _sc_kernels()
    dense = densify(ti, tv).reshape(NPAD, D)
    part, cntp = spmm(dense, src_p, dst_p)

    featp = jnp.pad(feat, ((0, NPAD - N), (0, 0)))
    out = _final(featp, part, cntp, W_neigh, W_self, b_self)
    return out[:N]

# --- scband reference (transcript-rebuilt; emitter-appended) ---
"""Pipeline reference for scband-max-ksageconv-62388694942254 (READ-ONLY COPY).

The authoritative reference and input builder live on the scoring server;
editing this copy changes nothing except your own understanding.
"""

import jax, jax.numpy as jnp
import numpy as np

N = 10000
D = 128
K = 32
E = 320000


def setup_inputs(seed: int = 0) -> dict:
    key = jax.random.key(seed)
    k1, k2, k3, k4, k5, k6 = jax.random.split(key, 6)
    feat = jax.random.normal(k1, (N, D), dtype=jnp.float32)
    # MaxK nonlinearity keeps top-k positive activations -> positive values
    topk_values = jax.random.uniform(k2, (N, K), dtype=jnp.float32)
    topk_indices = jax.random.randint(k3, (N, K), 0, D)
    edge_index = jax.random.randint(k4, (2, E), 0, N)
    # xavier_uniform with gain=sqrt(2) (calculate_gain('relu')) as in reset_parameters
    gain = float(np.sqrt(2.0))
    limit = gain * float(np.sqrt(6.0 / (D + D)))
    W_neigh = jax.random.uniform(k5, (D, D), minval=-limit, maxval=limit, dtype=jnp.float32)
    W_self = jax.random.uniform(k6, (D, D), minval=-limit, maxval=limit, dtype=jnp.float32)
    b_self = jnp.zeros((D,), dtype=jnp.float32)
    return {
        "feat": feat,
        "topk_values": topk_values,
        "topk_indices": topk_indices,
        "edge_index": edge_index,
        "W_neigh": W_neigh,
        "W_self": W_self,
        "b_self": b_self,
    }


def reference(feat, topk_values, topk_indices, edge_index, W_neigh, W_self, b_self):
    # MaxKSAGEConv forward, aggregator='mean', feat_drop=0 (identity),
    # no activation/norm, in_feats == out_feats so lin_before_mp is False.
    n, d = feat.shape
    src = edge_index[0]
    dst = edge_index[1]
    # in-degrees, clamped at 1 (as in set_graph_data)
    deg = jnp.clip(jnp.zeros((n,), jnp.float32).at[dst].add(1.0), 1.0, None)
    # MaxK SpMM: densify the sparse top-k feature representation, then
    # mean-aggregate over incoming edges (CSR spmm with unit edge values / degree).
    row_ids = jnp.arange(n)[:, None]
    dense = jnp.zeros((n, d), jnp.float32).at[row_ids, topk_indices].set(topk_values)
    msgs = jnp.take(dense, src, axis=0)
    agg = jax.ops.segment_sum(msgs, dst, num_segments=n) / deg[:, None]
    # lin_before_mp is False -> apply fc_neigh after aggregation
    h_neigh = agg @ W_neigh.T
    h_self = feat
    rst = h_self @ W_self.T + b_self + h_neigh
    return rst

if __name__ == "__main__":
    import jax
    _d = setup_inputs()
    print(jax.jit(kernel)(*tuple(_d.values())))

</pallas_src>

<mosaic_0001>
#map = affine_map<(d0, d1) -> (0, 0)>
#map1 = affine_map<(d0, d1) -> (0)>
module attributes {stable_mosaic.version = 14 : i64} {
  func.func @_densify_body(%arg0: i32, %arg1: i32, %arg2: memref<10240x32xi32, #tpu.memory_space<hbm>>, %arg3: memref<10240x32xf32, #tpu.memory_space<hbm>>, %arg4: memref<1310720xf32, #tpu.memory_space<hbm>>, %arg5: memref<40960xf32, #tpu.memory_space<vmem>>, %arg6: memref<320x32xi32, #tpu.memory_space<vmem>>, %arg7: memref<320x32xf32, #tpu.memory_space<vmem>>) attributes {dimension_semantics = [#tpu.dimension_semantics<core_parallel>, #tpu.dimension_semantics<subcore_parallel>], iteration_bounds = array<i64: 2, 16>, scalar_prefetch = 0 : i64, scratch_operands = 3 : i64, tpu.core_type = #tpu.core_type<sc_vector_subcore>, window_params = [{transform_indices = #map}, {transform_indices = #map}, {transform_indices = #map1}]} {
    %mul3A = arith.constant 2 : i32
    %mul3A_0 = arith.muli %arg1, %mul3A : i32
    %add3A = arith.addi %mul3A_0, %arg0 : i32
    %mul3A_1 = arith.constant 320 : i32
    %mul3A_2 = arith.muli %add3A, %mul3A_1 : i32
    %scan3A = arith.constant 0 : i32
    %scan3A_3 = arith.constant 2560 : i32
    %scan3A_4 = arith.addi %scan3A, %scan3A_3 : i32
    %scan3A_5 = arith.constant 1 : i32
    scf.for %scan3A_14 = %scan3A to %scan3A_4 step %scan3A_5  : i32 {
      %mul3A_15 = arith.constant 1 : i32
      %mul3A_16 = arith.muli %scan3A_14, %mul3A_15 : i32
      %add3A_17 = arith.constant 0 : i32
      %add3A_18 = arith.addi %add3A_17, %mul3A_16 : i32
      %broadcast_in_dim3A = arith.constant 0.000000e+00 : f32
      %broadcast_in_dim3A_19 = vector.broadcast %broadcast_in_dim3A : f32 to vector<16xf32>
      %mul3A_20 = arith.constant 16 : i32
      %mul3A_21 = arith.muli %add3A_18, %mul3A_20 : i32
      %swap3A = arith.index_cast %mul3A_21 : i32 to index
      %swap3A_22 = tpu.vector_load %arg5[%swap3A] {strides = array<i32>} : memref<40960xf32, #tpu.memory_space<vmem>>, vector<16xf32>,
      tpu.vector_store %arg5[%swap3A], %broadcast_in_dim3A_19 {strides = array<i32>} : memref<40960xf32, #tpu.memory_space<vmem>>, vector<16xf32>,
    }
    %scan3A_6 = arith.constant 2560 : i32
    "tpu.region"() ({
      %run_scoped3A = tpu.sem_alloc : memref<!tpu.dma_semaphore, #tpu.memory_space<semaphore_mem>>
      %dma_start3A = arith.constant 0 : i32
      %dma_start3A_14 = tpu.memref_slice %arg2[%mul3A_2, %dma_start3A] : memref<10240x32xi32, #tpu.memory_space<hbm>> -> memref<320x32xi32, #tpu.memory_space<hbm>>
      %dma_start3A_15 = arith.constant 0 : i32
      %dma_start3A_16 = tpu.memref_slice %arg2[%mul3A_2, %dma_start3A_15] : memref<10240x32xi32, #tpu.memory_space<hbm>> -> memref<320x32xi32, #tpu.memory_space<hbm>>
      tpu.enqueue_dma source(%dma_start3A_16 : memref<320x32xi32, #tpu.memory_space<hbm>>) target(%arg6 : memref<320x32xi32, #tpu.memory_space<vmem>>) target_semaphore(%run_scoped3A : memref<!tpu.dma_semaphore, #tpu.memory_space<semaphore_mem>>)
      %dma_wait3A = arith.constant 0 : i32
      %dma_wait3A_17 = tpu.memref_slice %arg2[%mul3A_2, %dma_wait3A] : memref<10240x32xi32, #tpu.memory_space<hbm>> -> memref<320x32xi32, #tpu.memory_space<hbm>>
      %dma_wait3A_18 = arith.constant 0 : i32
      %dma_wait3A_19 = tpu.memref_slice %arg2[%mul3A_2, %dma_wait3A_18] : memref<10240x32xi32, #tpu.memory_space<hbm>> -> memref<320x32xi32, #tpu.memory_space<hbm>>
      tpu.wait_dma2 semaphore(%run_scoped3A : memref<!tpu.dma_semaphore, #tpu.memory_space<semaphore_mem>>) src(%dma_wait3A_19 : memref<320x32xi32, #tpu.memory_space<hbm>>) dst(%arg6 : memref<320x32xi32, #tpu.memory_space<vmem>>)
      tpu.yield
    }) : () -> ()
    "tpu.region"() ({
      %run_scoped3A = tpu.sem_alloc : memref<!tpu.dma_semaphore, #tpu.memory_space<semaphore_mem>>
      %dma_start3A = arith.constant 0 : i32
      %dma_start3A_14 = tpu.memref_slice %arg3[%mul3A_2, %dma_start3A] : memref<10240x32xf32, #tpu.memory_space<hbm>> -> memref<320x32xf32, #tpu.memory_space<hbm>>
      %dma_start3A_15 = arith.constant 0 : i32
      %dma_start3A_16 = tpu.memref_slice %arg3[%mul3A_2, %dma_start3A_15] : memref<10240x32xf32, #tpu.memory_space<hbm>> -> memref<320x32xf32, #tpu.memory_space<hbm>>
      tpu.enqueue_dma source(%dma_start3A_16 : memref<320x32xf32, #tpu.memory_space<hbm>>) target(%arg7 : memref<320x32xf32, #tpu.memory_space<vmem>>) target_semaphore(%run_scoped3A : memref<!tpu.dma_semaphore, #tpu.memory_space<semaphore_mem>>)
      %dma_wait3A = arith.constant 0 : i32
      %dma_wait3A_17 = tpu.memref_slice %arg3[%mul3A_2, %dma_wait3A] : memref<10240x32xf32, #tpu.memory_space<hbm>> -> memref<320x32xf32, #tpu.memory_space<hbm>>
      %dma_wait3A_18 = arith.constant 0 : i32
      %dma_wait3A_19 = tpu.memref_slice %arg3[%mul3A_2, %dma_wait3A_18] : memref<10240x32xf32, #tpu.memory_space<hbm>> -> memref<320x32xf32, #tpu.memory_space<hbm>>
      tpu.wait_dma2 semaphore(%run_scoped3A : memref<!tpu.dma_semaphore, #tpu.memory_space<semaphore_mem>>) src(%dma_wait3A_19 : memref<320x32xf32, #tpu.memory_space<hbm>>) dst(%arg7 : memref<320x32xf32, #tpu.memory_space<vmem>>)
      tpu.yield
    }) : () -> ()
    %scan3A_7 = arith.constant 0 : i32
    %scan3A_8 = arith.constant 320 : i32
    %scan3A_9 = arith.addi %scan3A_7, %scan3A_8 : i32
    %scan3A_10 = arith.constant 1 : i32
    scf.for %scan3A_14 = %scan3A_7 to %scan3A_9 step %scan3A_10  : i32 {
      %mul3A_15 = arith.constant 1 : i32
      %mul3A_16 = arith.muli %scan3A_14, %mul3A_15 : i32
      %add3A_17 = arith.constant 0 : i32
      %add3A_18 = arith.addi %add3A_17, %mul3A_16 : i32
      %broadcast_in_dim3A = arith.constant 0 : i32
      %broadcast_in_dim3A_19 = vector.broadcast %broadcast_in_dim3A : i32 to vector<16xi32>
      %mul3A_20 = arith.constant 128 : i32
      %mul3A_21 = arith.muli %add3A_18, %mul3A_20 : i32
      %add3A_22 = vector.broadcast %mul3A_21 : i32 to vector<16xi32>
      %add3A_23 = arith.addi %broadcast_in_dim3A_19, %add3A_22 : vector<16xi32>
      %get3A = arith.index_cast %add3A_18 : i32 to index
      %get3A_24 = arith.constant 0 : index
      %get3A_25 = tpu.vector_load %arg6[%get3A, %get3A_24] {strides = array<i32>} : memref<320x32xi32, #tpu.memory_space<vmem>>, vector<16xi32>,
      %get3A_26 = arith.index_cast %add3A_18 : i32 to index
      %get3A_27 = arith.constant 0 : index
      %get3A_28 = tpu.vector_load %arg7[%get3A_26, %get3A_27] {strides = array<i32>} : memref<320x32xf32, #tpu.memory_space<vmem>>, vector<16xf32>,
      %add3A_29 = arith.addi %add3A_23, %get3A_25 : vector<16xi32>
      tpu.vector_store_idx %arg5[%add3A_29], %get3A_28 : memref<40960xf32, #tpu.memory_space<vmem>>[vector<16xi32>], vector<16xf32>,
      %get3A_30 = arith.index_cast %add3A_18 : i32 to index
      %get3A_31 = arith.constant 16 : index
      %get3A_32 = tpu.vector_load %arg6[%get3A_30, %get3A_31] {strides = array<i32>} : memref<320x32xi32, #tpu.memory_space<vmem>>, vector<16xi32>,
      %get3A_33 = arith.index_cast %add3A_18 : i32 to index
      %get3A_34 = arith.constant 16 : index
      %get3A_35 = tpu.vector_load %arg7[%get3A_33, %get3A_34] {strides = array<i32>} : memref<320x32xf32, #tpu.memory_space<vmem>>, vector<16xf32>,
      %add3A_36 = arith.addi %add3A_23, %get3A_32 : vector<16xi32>
      tpu.vector_store_idx %arg5[%add3A_36], %get3A_35 : memref<40960xf32, #tpu.memory_space<vmem>>[vector<16xi32>], vector<16xf32>,
    }
    %scan3A_11 = arith.constant 320 : i32
    %mul3A_12 = arith.constant 128 : i32
    %mul3A_13 = arith.muli %mul3A_2, %mul3A_12 : i32
    "tpu.region"() ({
      %run_scoped3A = tpu.sem_alloc : memref<!tpu.dma_semaphore, #tpu.memory_space<semaphore_mem>>
      %dma_start3A = tpu.memref_slice %arg4[%mul3A_13] : memref<1310720xf32, #tpu.memory_space<hbm>> -> memref<40960xf32, #tpu.memory_space<hbm>>
      %dma_start3A_14 = tpu.memref_slice %arg4[%mul3A_13] : memref<1310720xf32, #tpu.memory_space<hbm>> -> memref<40960xf32, #tpu.memory_space<hbm>>
      tpu.enqueue_dma source(%arg5 : memref<40960xf32, #tpu.memory_space<vmem>>) target(%dma_start3A_14 : memref<40960xf32, #tpu.memory_space<hbm>>) target_semaphore(%run_scoped3A : memref<!tpu.dma_semaphore, #tpu.memory_space<semaphore_mem>>)
      %dma_wait3A = tpu.memref_slice %arg4[%mul3A_13] : memref<1310720xf32, #tpu.memory_space<hbm>> -> memref<40960xf32, #tpu.memory_space<hbm>>
      %dma_wait3A_15 = tpu.memref_slice %arg4[%mul3A_13] : memref<1310720xf32, #tpu.memory_space<hbm>> -> memref<40960xf32, #tpu.memory_space<hbm>>
      tpu.wait_dma2 semaphore(%run_scoped3A : memref<!tpu.dma_semaphore, #tpu.memory_space<semaphore_mem>>) src(%arg5 : memref<40960xf32, #tpu.memory_space<vmem>>) dst(%dma_wait3A_15 : memref<40960xf32, #tpu.memory_space<hbm>>)
      tpu.yield
    }) : () -> ()
    return
  }
}

#map = affine_map<(d0, d1) -> (0, 0)>
#map1 = affine_map<(d0, d1) -> (0, 0, 0)>
module attributes {stable_mosaic.version = 14 : i64} {
  func.func @_spmm_body(%arg0: i32, %arg1: i32, %arg2: memref<10240x128xf32, #tpu.memory_space<hbm>>, %arg3: memref<32x80x128xi32, #tpu.memory_space<hbm>>, %arg4: memref<32x80x128xi32, #tpu.memory_space<hbm>>, %arg5: memref<2x10240x128xf32, #tpu.memory_space<hbm>>, %arg6: memref<2x10240x16xf32, #tpu.memory_space<hbm>>, %arg7: memref<10240x128xf32, #tpu.memory_space<vmem_shared>>, %arg8: memref<10240x16xf32, #tpu.memory_space<vmem_shared>>, %arg9: memref<128x128xf32, #tpu.memory_space<vmem>>, %arg10: memref<80x128xi32, #tpu.memory_space<vmem>>, %arg11: memref<80x128xi32, #tpu.memory_space<vmem>>, %arg12: memref<128x16xf32, #tpu.memory_space<vmem>>, %arg13: memref<!tpu.dma_semaphore, #tpu.memory_space<semaphore_mem>>) attributes {dimension_semantics = [#tpu.dimension_semantics<core_parallel>, #tpu.dimension_semantics<subcore_parallel>], iteration_bounds = array<i64: 2, 16>, scalar_prefetch = 0 : i64, scratch_operands = 7 : i64, tpu.core_type = #tpu.core_type<sc_vector_subcore>, window_params = [{transform_indices = #map}, {transform_indices = #map1}, {transform_indices = #map1}, {transform_indices = #map1}, {transform_indices = #map1}]} {
    %mul3A = arith.constant 2 : i32
    %mul3A_0 = arith.muli %arg1, %mul3A : i32
    %add3A = arith.addi %mul3A_0, %arg0 : i32
    %scan3A = arith.constant 0 : i32
    %scan3A_1 = arith.constant 128 : i32
    %scan3A_2 = arith.addi %scan3A, %scan3A_1 : i32
    %scan3A_3 = arith.constant 1 : i32
    scf.for %scan3A_31 = %scan3A to %scan3A_2 step %scan3A_3  : i32 {
      %mul3A_32 = arith.constant 1 : i32
      %mul3A_33 = arith.muli %scan3A_31, %mul3A_32 : i32
      %add3A_34 = arith.constant 0 : i32
      %add3A_35 = arith.addi %add3A_34, %mul3A_33 : i32
      %broadcast_in_dim3A = arith.constant 0.000000e+00 : f32
      %broadcast_in_dim3A_36 = vector.broadcast %broadcast_in_dim3A : f32 to vector<16xf32>
      %swap3A = arith.index_cast %add3A_35 : i32 to index
      %swap3A_37 = arith.constant 0 : index
      %swap3A_38 = tpu.vector_load %arg9[%swap3A, %swap3A_37] {strides = array<i32>} : memref<128x128xf32, #tpu.memory_space<vmem>>, vector<16xf32>,
      tpu.vector_store %arg9[%swap3A, %swap3A_37], %broadcast_in_dim3A_36 {strides = array<i32>} : memref<128x128xf32, #tpu.memory_space<vmem>>, vector<16xf32>,
      %broadcast_in_dim3A_39 = arith.constant 0.000000e+00 : f32
      %broadcast_in_dim3A_40 = vector.broadcast %broadcast_in_dim3A_39 : f32 to vector<16xf32>
      %swap3A_41 = arith.index_cast %add3A_35 : i32 to index
      %swap3A_42 = arith.constant 16 : index
      %swap3A_43 = tpu.vector_load %arg9[%swap3A_41, %swap3A_42] {strides = array<i32>} : memref<128x128xf32, #tpu.memory_space<vmem>>, vector<16xf32>,
      tpu.vector_store %arg9[%swap3A_41, %swap3A_42], %broadcast_in_dim3A_40 {strides = array<i32>} : memref<128x128xf32, #tpu.memory_space<vmem>>, vector<16xf32>,
      %broadcast_in_dim3A_44 = arith.constant 0.000000e+00 : f32
      %broadcast_in_dim3A_45 = vector.broadcast %broadcast_in_dim3A_44 : f32 to vector<16xf32>
      %swap3A_46 = arith.index_cast %add3A_35 : i32 to index
      %swap3A_47 = arith.constant 32 : index
      %swap3A_48 = tpu.vector_load %arg9[%swap3A_46, %swap3A_47] {strides = array<i32>} : memref<128x128xf32, #tpu.memory_space<vmem>>, vector<16xf32>,
      tpu.vector_store %arg9[%swap3A_46, %swap3A_47], %broadcast_in_dim3A_45 {strides = array<i32>} : memref<128x128xf32, #tpu.memory_space<vmem>>, vector<16xf32>,
      %broadcast_in_dim3A_49 = arith.constant 0.000000e+00 : f32
      %broadcast_in_dim3A_50 = vector.broadcast %broadcast_in_dim3A_49 : f32 to vector<16xf32>
      %swap3A_51 = arith.index_cast %add3A_35 : i32 to index
      %swap3A_52 = arith.constant 48 : index
      %swap3A_53 = tpu.vector_load %arg9[%swap3A_51, %swap3A_52] {strides = array<i32>} : memref<128x128xf32, #tpu.memory_space<vmem>>, vector<16xf32>,
      tpu.vector_store %arg9[%swap3A_51, %swap3A_52], %broadcast_in_dim3A_50 {strides = array<i32>} : memref<128x128xf32, #tpu.memory_space<vmem>>, vector<16xf32>,
      %broadcast_in_dim3A_54 = arith.constant 0.000000e+00 : f32
      %broadcast_in_dim3A_55 = vector.broadcast %broadcast_in_dim3A_54 : f32 to vector<16xf32>
      %swap3A_56 = arith.index_cast %add3A_35 : i32 to index
      %swap3A_57 = arith.constant 64 : index
      %swap3A_58 = tpu.vector_load %arg9[%swap3A_56, %swap3A_57] {strides = array<i32>} : memref<128x128xf32, #tpu.memory_space<vmem>>, vector<16xf32>,
      tpu.vector_store %arg9[%swap3A_56, %swap3A_57], %broadcast_in_dim3A_55 {strides = array<i32>} : memref<128x128xf32, #tpu.memory_space<vmem>>, vector<16xf32>,
      %broadcast_in_dim3A_59 = arith.constant 0.000000e+00 : f32
      %broadcast_in_dim3A_60 = vector.broadcast %broadcast_in_dim3A_59 : f32 to vector<16xf32>
      %swap3A_61 = arith.index_cast %add3A_35 : i32 to index
      %swap3A_62 = arith.constant 80 : index
      %swap3A_63 = tpu.vector_load %arg9[%swap3A_61, %swap3A_62] {strides = array<i32>} : memref<128x128xf32, #tpu.memory_space<vmem>>, vector<16xf32>,
      tpu.vector_store %arg9[%swap3A_61, %swap3A_62], %broadcast_in_dim3A_60 {strides = array<i32>} : memref<128x128xf32, #tpu.memory_space<vmem>>, vector<16xf32>,
      %broadcast_in_dim3A_64 = arith.constant 0.000000e+00 : f32
      %broadcast_in_dim3A_65 = vector.broadcast %broadcast_in_dim3A_64 : f32 to vector<16xf32>
      %swap3A_66 = arith.index_cast %add3A_35 : i32 to index
      %swap3A_67 = arith.constant 96 : index
      %swap3A_68 = tpu.vector_load %arg9[%swap3A_66, %swap3A_67] {strides = array<i32>} : memref<128x128xf32, #tpu.memory_space<vmem>>, vector<16xf32>,
      tpu.vector_store %arg9[%swap3A_66, %swap3A_67], %broadcast_in_dim3A_65 {strides = array<i32>} : memref<128x128xf32, #tpu.memory_space<vmem>>, vector<16xf32>,
      %broadcast_in_dim3A_69 = arith.constant 0.000000e+00 : f32
      %broadcast_in_dim3A_70 = vector.broadcast %broadcast_in_dim3A_69 : f32 to vector<16xf32>
      %swap3A_71 = arith.index_cast %add3A_35 : i32 to index
      %swap3A_72 = arith.constant 112 : index
      %swap3A_73 = tpu.vector_load %arg9[%swap3A_71, %swap3A_72] {strides = array<i32>} : memref<128x128xf32, #tpu.memory_space<vmem>>, vector<16xf32>,
      tpu.vector_store %arg9[%swap3A_71, %swap3A_72], %broadcast_in_dim3A_70 {strides = array<i32>} : memref<128x128xf32, #tpu.memory_space<vmem>>, vector<16xf32>,
    }
    %scan3A_4 = arith.constant 128 : i32
    %scan3A_5 = arith.constant 0 : i32
    %scan3A_6 = arith.constant 128 : i32
    %scan3A_7 = arith.addi %scan3A_5, %scan3A_6 : i32
    %scan3A_8 = arith.constant 1 : i32
    scf.for %scan3A_31 = %scan3A_5 to %scan3A_7 step %scan3A_8  : i32 {
      %mul3A_32 = arith.constant 1 : i32
      %mul3A_33 = arith.muli %scan3A_31, %mul3A_32 : i32
      %add3A_34 = arith.constant 0 : i32
      %add3A_35 = arith.addi %add3A_34, %mul3A_33 : i32
      %broadcast_in_dim3A = arith.constant 0.000000e+00 : f32
      %broadcast_in_dim3A_36 = vector.broadcast %broadcast_in_dim3A : f32 to vector<16xf32>
      %swap3A = arith.index_cast %add3A_35 : i32 to index
      %swap3A_37 = arith.constant 0 : index
      %swap3A_38 = tpu.vector_load %arg12[%swap3A, %swap3A_37] {strides = array<i32>} : memref<128x16xf32, #tpu.memory_space<vmem>>, vector<16xf32>,
      tpu.vector_store %arg12[%swap3A, %swap3A_37], %broadcast_in_dim3A_36 {strides = array<i32>} : memref<128x16xf32, #tpu.memory_space<vmem>>, vector<16xf32>,
    }
    %scan3A_9 = arith.constant 128 : i32
    %scan3A_10 = arith.constant 0 : i32
    %scan3A_11 = arith.constant 5 : i32
    %scan3A_12 = arith.addi %scan3A_10, %scan3A_11 : i32
    %scan3A_13 = arith.constant 1 : i32
    scf.for %scan3A_31 = %scan3A_10 to %scan3A_12 step %scan3A_13  : i32 {
      %mul3A_32 = arith.constant 1 : i32
      %mul3A_33 = arith.muli %scan3A_31, %mul3A_32 : i32
      %add3A_34 = arith.constant 0 : i32
      %add3A_35 = arith.addi %add3A_34, %mul3A_33 : i32
      %mul3A_36 = arith.constant 640 : i32
      %mul3A_37 = arith.muli %arg1, %mul3A_36 : i32
      %mul3A_38 = arith.constant 128 : i32
      %mul3A_39 = arith.muli %add3A_35, %mul3A_38 : i32
      %add3A_40 = arith.addi %mul3A_37, %mul3A_39 : i32
      "tpu.region"() ({
        %run_scoped3A = tpu.sem_alloc : memref<!tpu.dma_semaphore, #tpu.memory_space<semaphore_mem>>
        %dma_start3A = arith.constant 0 : i32
        %dma_start3A_46 = tpu.memref_slice %arg7[%add3A_40, %dma_start3A] : memref<10240x128xf32, #tpu.memory_space<vmem_shared>> -> memref<128x128xf32, #tpu.memory_space<vmem_shared>>
        %dma_start3A_47 = arith.constant 0 : i32
        %dma_start3A_48 = tpu.memref_slice %arg7[%add3A_40, %dma_start3A_47] : memref<10240x128xf32, #tpu.memory_space<vmem_shared>> -> memref<128x128xf32, #tpu.memory_space<vmem_shared>>
        tpu.enqueue_dma source(%arg9 : memref<128x128xf32, #tpu.memory_space<vmem>>) target(%dma_start3A_48 : memref<128x128xf32, #tpu.memory_space<vmem_shared>>) target_semaphore(%run_scoped3A : memref<!tpu.dma_semaphore, #tpu.memory_space<semaphore_mem>>)
        %dma_wait3A = arith.constant 0 : i32
        %dma_wait3A_49 = tpu.memref_slice %arg7[%add3A_40, %dma_wait3A] : memref<10240x128xf32, #tpu.memory_space<vmem_shared>> -> memref<128x128xf32, #tpu.memory_space<vmem_shared>>
        %dma_wait3A_50 = arith.constant 0 : i32
        %dma_wait3A_51 = tpu.memref_slice %arg7[%add3A_40, %dma_wait3A_50] : memref<10240x128xf32, #tpu.memory_space<vmem_shared>> -> memref<128x128xf32, #tpu.memory_space<vmem_shared>>
        tpu.wait_dma2 semaphore(%run_scoped3A : memref<!tpu.dma_semaphore, #tpu.memory_space<semaphore_mem>>) src(%arg9 : memref<128x128xf32, #tpu.memory_space<vmem>>) dst(%dma_wait3A_51 : memref<128x128xf32, #tpu.memory_space<vmem_shared>>)
        tpu.yield
      }) : () -> ()
      %mul3A_41 = arith.constant 640 : i32
      %mul3A_42 = arith.muli %arg1, %mul3A_41 : i32
      %mul3A_43 = arith.constant 128 : i32
      %mul3A_44 = arith.muli %add3A_35, %mul3A_43 : i32
      %add3A_45 = arith.addi %mul3A_42, %mul3A_44 : i32
      "tpu.region"() ({
        %run_scoped3A = tpu.sem_alloc : memref<!tpu.dma_semaphore, #tpu.memory_space<semaphore_mem>>
        %dma_start3A = arith.constant 0 : i32
        %dma_start3A_46 = tpu.memref_slice %arg8[%add3A_45, %dma_start3A] : memref<10240x16xf32, #tpu.memory_space<vmem_shared>> -> memref<128x16xf32, #tpu.memory_space<vmem_shared>>
        %dma_start3A_47 = arith.constant 0 : i32
        %dma_start3A_48 = tpu.memref_slice %arg8[%add3A_45, %dma_start3A_47] : memref<10240x16xf32, #tpu.memory_space<vmem_shared>> -> memref<128x16xf32, #tpu.memory_space<vmem_shared>>
        tpu.enqueue_dma source(%arg12 : memref<128x16xf32, #tpu.memory_space<vmem>>) target(%dma_start3A_48 : memref<128x16xf32, #tpu.memory_space<vmem_shared>>) target_semaphore(%run_scoped3A : memref<!tpu.dma_semaphore, #tpu.memory_space<semaphore_mem>>)
        %dma_wait3A = arith.constant 0 : i32
        %dma_wait3A_49 = tpu.memref_slice %arg8[%add3A_45, %dma_wait3A] : memref<10240x16xf32, #tpu.memory_space<vmem_shared>> -> memref<128x16xf32, #tpu.memory_space<vmem_shared>>
        %dma_wait3A_50 = arith.constant 0 : i32
        %dma_wait3A_51 = tpu.memref_slice %arg8[%add3A_45, %dma_wait3A_50] : memref<10240x16xf32, #tpu.memory_space<vmem_shared>> -> memref<128x16xf32, #tpu.memory_space<vmem_shared>>
        tpu.wait_dma2 semaphore(%run_scoped3A : memref<!tpu.dma_semaphore, #tpu.memory_space<semaphore_mem>>) src(%arg12 : memref<128x16xf32, #tpu.memory_space<vmem>>) dst(%dma_wait3A_51 : memref<128x16xf32, #tpu.memory_space<vmem_shared>>)
        tpu.yield
      }) : () -> ()
    }
    %scan3A_14 = arith.constant 5 : i32
    %scan3A_15 = arith.constant 0 : i32
    %scan3A_16 = arith.constant 128 : i32
    %scan3A_17 = arith.addi %scan3A_15, %scan3A_16 : i32
    %scan3A_18 = arith.constant 1 : i32
    scf.for %scan3A_31 = %scan3A_15 to %scan3A_17 step %scan3A_18  : i32 {
      %mul3A_32 = arith.constant 1 : i32
      %mul3A_33 = arith.muli %scan3A_31, %mul3A_32 : i32
      %add3A_34 = arith.constant 0 : i32
      %add3A_35 = arith.addi %add3A_34, %mul3A_33 : i32
      %broadcast_in_dim3A = arith.constant 0.000000e+00 : f32
      %broadcast_in_dim3A_36 = vector.broadcast %broadcast_in_dim3A : f32 to vector<16xf32>
      %add3A_37 = arith.constant 1.000000e+00 : f32
      %add3A_38 = vector.broadcast %add3A_37 : f32 to vector<16xf32>
      %add3A_39 = arith.addf %broadcast_in_dim3A_36, %add3A_38 : vector<16xf32>
      %swap3A = arith.index_cast %add3A_35 : i32 to index
      %swap3A_40 = arith.constant 0 : index
      %swap3A_41 = tpu.vector_load %arg12[%swap3A, %swap3A_40] {strides = array<i32>} : memref<128x16xf32, #tpu.memory_space<vmem>>, vector<16xf32>,
      tpu.vector_store %arg12[%swap3A, %swap3A_40], %add3A_39 {strides = array<i32>} : memref<128x16xf32, #tpu.memory_space<vmem>>, vector<16xf32>,
    }
    %scan3A_19 = arith.constant 128 : i32
    %barrier3A = arith.constant 0 : index
    tpu.barrier barrier_id(%barrier3A)
    "tpu.region"() ({
      %run_scoped3A = tpu.sem_alloc : memref<!tpu.dma_semaphore, #tpu.memory_space<semaphore_mem>>
      %dma_start3A = arith.constant 0 : i32
      %dma_start3A_31 = arith.constant 0 : i32
      %dma_start3A_32 = tpu.memref_slice %arg3[%add3A, %dma_start3A, %dma_start3A_31] : memref<32x80x128xi32, #tpu.memory_space<hbm>> -> memref<1x80x128xi32, #tpu.memory_space<hbm>>
      %dma_start3A_33 = tpu.memref_squeeze %dma_start3A_32 : memref<1x80x128xi32, #tpu.memory_space<hbm>> -> memref<80x128xi32, #tpu.memory_space<hbm>>
      %dma_start3A_34 = arith.constant 0 : i32
      %dma_start3A_35 = arith.constant 0 : i32
      %dma_start3A_36 = tpu.memref_slice %arg3[%add3A, %dma_start3A_34, %dma_start3A_35] : memref<32x80x128xi32, #tpu.memory_space<hbm>> -> memref<1x80x128xi32, #tpu.memory_space<hbm>>
      %dma_start3A_37 = tpu.memref_squeeze %dma_start3A_36 : memref<1x80x128xi32, #tpu.memory_space<hbm>> -> memref<80x128xi32, #tpu.memory_space<hbm>>
      tpu.enqueue_dma source(%dma_start3A_37 : memref<80x128xi32, #tpu.memory_space<hbm>>) target(%arg10 : memref<80x128xi32, #tpu.memory_space<vmem>>) target_semaphore(%run_scoped3A : memref<!tpu.dma_semaphore, #tpu.memory_space<semaphore_mem>>)
      %dma_wait3A = arith.constant 0 : i32
      %dma_wait3A_38 = arith.constant 0 : i32
      %dma_wait3A_39 = tpu.memref_slice %arg3[%add3A, %dma_wait3A, %dma_wait3A_38] : memref<32x80x128xi32, #tpu.memory_space<hbm>> -> memref<1x80x128xi32, #tpu.memory_space<hbm>>
      %dma_wait3A_40 = tpu.memref_squeeze %dma_wait3A_39 : memref<1x80x128xi32, #tpu.memory_space<hbm>> -> memref<80x128xi32, #tpu.memory_space<hbm>>
      %dma_wait3A_41 = arith.constant 0 : i32
      %dma_wait3A_42 = arith.constant 0 : i32
      %dma_wait3A_43 = tpu.memref_slice %arg3[%add3A, %dma_wait3A_41, %dma_wait3A_42] : memref<32x80x128xi32, #tpu.memory_space<hbm>> -> memref<1x80x128xi32, #tpu.memory_space<hbm>>
      %dma_wait3A_44 = tpu.memref_squeeze %dma_wait3A_43 : memref<1x80x128xi32, #tpu.memory_space<hbm>> -> memref<80x128xi32, #tpu.memory_space<hbm>>
      tpu.wait_dma2 semaphore(%run_scoped3A : memref<!tpu.dma_semaphore, #tpu.memory_space<semaphore_mem>>) src(%dma_wait3A_44 : memref<80x128xi32, #tpu.memory_space<hbm>>) dst(%arg10 : memref<80x128xi32, #tpu.memory_space<vmem>>)
      tpu.yield
    }) : () -> ()
    "tpu.region"() ({
      %run_scoped3A = tpu.sem_alloc : memref<!tpu.dma_semaphore, #tpu.memory_space<semaphore_mem>>
      %dma_start3A = arith.constant 0 : i32
      %dma_start3A_31 = arith.constant 0 : i32
      %dma_start3A_32 = tpu.memref_slice %arg4[%add3A, %dma_start3A, %dma_start3A_31] : memref<32x80x128xi32, #tpu.memory_space<hbm>> -> memref<1x80x128xi32, #tpu.memory_space<hbm>>
      %dma_start3A_33 = tpu.memref_squeeze %dma_start3A_32 : memref<1x80x128xi32, #tpu.memory_space<hbm>> -> memref<80x128xi32, #tpu.memory_space<hbm>>
      %dma_start3A_34 = arith.constant 0 : i32
      %dma_start3A_35 = arith.constant 0 : i32
      %dma_start3A_36 = tpu.memref_slice %arg4[%add3A, %dma_start3A_34, %dma_start3A_35] : memref<32x80x128xi32, #tpu.memory_space<hbm>> -> memref<1x80x128xi32, #tpu.memory_space<hbm>>
      %dma_start3A_37 = tpu.memref_squeeze %dma_start3A_36 : memref<1x80x128xi32, #tpu.memory_space<hbm>> -> memref<80x128xi32, #tpu.memory_space<hbm>>
      tpu.enqueue_dma source(%dma_start3A_37 : memref<80x128xi32, #tpu.memory_space<hbm>>) target(%arg11 : memref<80x128xi32, #tpu.memory_space<vmem>>) target_semaphore(%run_scoped3A : memref<!tpu.dma_semaphore, #tpu.memory_space<semaphore_mem>>)
      %dma_wait3A = arith.constant 0 : i32
      %dma_wait3A_38 = arith.constant 0 : i32
      %dma_wait3A_39 = tpu.memref_slice %arg4[%add3A, %dma_wait3A, %dma_wait3A_38] : memref<32x80x128xi32, #tpu.memory_space<hbm>> -> memref<1x80x128xi32, #tpu.memory_space<hbm>>
      %dma_wait3A_40 = tpu.memref_squeeze %dma_wait3A_39 : memref<1x80x128xi32, #tpu.memory_space<hbm>> -> memref<80x128xi32, #tpu.memory_space<hbm>>
      %dma_wait3A_41 = arith.constant 0 : i32
      %dma_wait3A_42 = arith.constant 0 : i32
      %dma_wait3A_43 = tpu.memref_slice %arg4[%add3A, %dma_wait3A_41, %dma_wait3A_42] : memref<32x80x128xi32, #tpu.memory_space<hbm>> -> memref<1x80x128xi32, #tpu.memory_space<hbm>>
      %dma_wait3A_44 = tpu.memref_squeeze %dma_wait3A_43 : memref<1x80x128xi32, #tpu.memory_space<hbm>> -> memref<80x128xi32, #tpu.memory_space<hbm>>
      tpu.wait_dma2 semaphore(%run_scoped3A : memref<!tpu.dma_semaphore, #tpu.memory_space<semaphore_mem>>) src(%dma_wait3A_44 : memref<80x128xi32, #tpu.memory_space<hbm>>) dst(%arg11 : memref<80x128xi32, #tpu.memory_space<vmem>>)
      tpu.yield
    }) : () -> ()
    %scan3A_20 = arith.constant 0 : i32
    %scan3A_21 = arith.constant 80 : i32
    %scan3A_22 = arith.addi %scan3A_20, %scan3A_21 : i32
    %scan3A_23 = arith.constant 1 : i32
    scf.for %scan3A_31 = %scan3A_20 to %scan3A_22 step %scan3A_23  : i32 {
      %mul3A_32 = arith.constant 1 : i32
      %mul3A_33 = arith.muli %scan3A_31, %mul3A_32 : i32
      %add3A_34 = arith.constant 0 : i32
      %add3A_35 = arith.addi %add3A_34, %mul3A_33 : i32
      %dma_start3A = arith.constant 0 : i32
      %dma_start3A_36 = tpu.memref_slice %arg10[%add3A_35, %dma_start3A] : memref<80x128xi32, #tpu.memory_space<vmem>> -> memref<1x128xi32, #tpu.memory_space<vmem>>
      %dma_start3A_37 = tpu.memref_squeeze %dma_start3A_36 : memref<1x128xi32, #tpu.memory_space<vmem>> -> memref<128xi32, #tpu.memory_space<vmem>>
      %dma_start3A_38 = arith.constant 0 : i32
      %dma_start3A_39 = arith.constant 0 : i32
      %dma_start3A_40 = tpu.memref_slice %arg2[%dma_start3A_38, %dma_start3A_39] : memref<10240x128xf32, #tpu.memory_space<hbm>> -> memref<10240x128xf32, #tpu.memory_space<hbm>>
      tpu.enqueue_indirect_dma source(%dma_start3A_40 : memref<10240x128xf32, #tpu.memory_space<hbm>>) target(%arg9 : memref<128x128xf32, #tpu.memory_space<vmem>>) offsets(%dma_start3A_37 : memref<128xi32, #tpu.memory_space<vmem>>) semaphore(%arg13 : memref<!tpu.dma_semaphore, #tpu.memory_space<semaphore_mem>>)
      %dma_wait3A = arith.constant 0 : i32
      %dma_wait3A_41 = tpu.memref_slice %arg10[%add3A_35, %dma_wait3A] : memref<80x128xi32, #tpu.memory_space<vmem>> -> memref<1x128xi32, #tpu.memory_space<vmem>>
      %dma_wait3A_42 = tpu.memref_squeeze %dma_wait3A_41 : memref<1x128xi32, #tpu.memory_space<vmem>> -> memref<128xi32, #tpu.memory_space<vmem>>
      %dma_wait3A_43 = arith.constant 0 : i32
      %dma_wait3A_44 = arith.constant 0 : i32
      %dma_wait3A_45 = tpu.memref_slice %arg2[%dma_wait3A_43, %dma_wait3A_44] : memref<10240x128xf32, #tpu.memory_space<hbm>> -> memref<10240x128xf32, #tpu.memory_space<hbm>>
      tpu.wait_indirect_dma semaphore(%arg13 : memref<!tpu.dma_semaphore, #tpu.memory_space<semaphore_mem>>) src(%dma_wait3A_45 : memref<10240x128xf32, #tpu.memory_space<hbm>>) dst(%arg9 : memref<128x128xf32, #tpu.memory_space<vmem>>)
      "tpu.region"() ({
        %run_scoped3A = tpu.sem_alloc : memref<!tpu.dma_semaphore, #tpu.memory_space<semaphore_mem>>
        %dma_start3A_46 = arith.constant 0 : i32
        %dma_start3A_47 = tpu.memref_slice %arg11[%add3A_35, %dma_start3A_46] : memref<80x128xi32, #tpu.memory_space<vmem>> -> memref<1x128xi32, #tpu.memory_space<vmem>>
        %dma_start3A_48 = tpu.memref_squeeze %dma_start3A_47 : memref<1x128xi32, #tpu.memory_space<vmem>> -> memref<128xi32, #tpu.memory_space<vmem>>
        %dma_start3A_49 = arith.constant 0 : i32
        %dma_start3A_50 = arith.constant 0 : i32
        %dma_start3A_51 = tpu.memref_slice %arg7[%dma_start3A_49, %dma_start3A_50] : memref<10240x128xf32, #tpu.memory_space<vmem_shared>> -> memref<10240x128xf32, #tpu.memory_space<vmem_shared>>
        tpu.enqueue_indirect_dma source(%arg9 : memref<128x128xf32, #tpu.memory_space<vmem>>) target(%dma_start3A_51 : memref<10240x128xf32, #tpu.memory_space<vmem_shared>>) offsets(%dma_start3A_48 : memref<128xi32, #tpu.memory_space<vmem>>) semaphore(%run_scoped3A : memref<!tpu.dma_semaphore, #tpu.memory_space<semaphore_mem>>) {add = true}
        %dma_wait3A_52 = arith.constant 0 : i32
        %dma_wait3A_53 = tpu.memref_slice %arg11[%add3A_35, %dma_wait3A_52] : memref<80x128xi32, #tpu.memory_space<vmem>> -> memref<1x128xi32, #tpu.memory_space<vmem>>
        %dma_wait3A_54 = tpu.memref_squeeze %dma_wait3A_53 : memref<1x128xi32, #tpu.memory_space<vmem>> -> memref<128xi32, #tpu.memory_space<vmem>>
        %dma_wait3A_55 = arith.constant 0 : i32
        %dma_wait3A_56 = arith.constant 0 : i32
        %dma_wait3A_57 = tpu.memref_slice %arg7[%dma_wait3A_55, %dma_wait3A_56] : memref<10240x128xf32, #tpu.memory_space<vmem_shared>> -> memref<10240x128xf32, #tpu.memory_space<vmem_shared>>
        tpu.wait_indirect_dma semaphore(%run_scoped3A : memref<!tpu.dma_semaphore, #tpu.memory_space<semaphore_mem>>) src(%arg9 : memref<128x128xf32, #tpu.memory_space<vmem>>) dst(%dma_wait3A_57 : memref<10240x128xf32, #tpu.memory_space<vmem_shared>>)
        tpu.yield
      }) : () -> ()
      "tpu.region"() ({
        %run_scoped3A = tpu.sem_alloc : memref<!tpu.dma_semaphore, #tpu.memory_space<semaphore_mem>>
        %dma_start3A_46 = arith.constant 0 : i32
        %dma_start3A_47 = tpu.memref_slice %arg11[%add3A_35, %dma_start3A_46] : memref<80x128xi32, #tpu.memory_space<vmem>> -> memref<1x128xi32, #tpu.memory_space<vmem>>
        %dma_start3A_48 = tpu.memref_squeeze %dma_start3A_47 : memref<1x128xi32, #tpu.memory_space<vmem>> -> memref<128xi32, #tpu.memory_space<vmem>>
        %dma_start3A_49 = arith.constant 0 : i32
        %dma_start3A_50 = arith.constant 0 : i32
        %dma_start3A_51 = tpu.memref_slice %arg8[%dma_start3A_49, %dma_start3A_50] : memref<10240x16xf32, #tpu.memory_space<vmem_shared>> -> memref<10240x16xf32, #tpu.memory_space<vmem_shared>>
        tpu.enqueue_indirect_dma source(%arg12 : memref<128x16xf32, #tpu.memory_space<vmem>>) target(%dma_start3A_51 : memref<10240x16xf32, #tpu.memory_space<vmem_shared>>) offsets(%dma_start3A_48 : memref<128xi32, #tpu.memory_space<vmem>>) semaphore(%run_scoped3A : memref<!tpu.dma_semaphore, #tpu.memory_space<semaphore_mem>>) {add = true}
        %dma_wait3A_52 = arith.constant 0 : i32
        %dma_wait3A_53 = tpu.memref_slice %arg11[%add3A_35, %dma_wait3A_52] : memref<80x128xi32, #tpu.memory_space<vmem>> -> memref<1x128xi32, #tpu.memory_space<vmem>>
        %dma_wait3A_54 = tpu.memref_squeeze %dma_wait3A_53 : memref<1x128xi32, #tpu.memory_space<vmem>> -> memref<128xi32, #tpu.memory_space<vmem>>
        %dma_wait3A_55 = arith.constant 0 : i32
        %dma_wait3A_56 = arith.constant 0 : i32
        %dma_wait3A_57 = tpu.memref_slice %arg8[%dma_wait3A_55, %dma_wait3A_56] : memref<10240x16xf32, #tpu.memory_space<vmem_shared>> -> memref<10240x16xf32, #tpu.memory_space<vmem_shared>>
        tpu.wait_indirect_dma semaphore(%run_scoped3A : memref<!tpu.dma_semaphore, #tpu.memory_space<semaphore_mem>>) src(%arg12 : memref<128x16xf32, #tpu.memory_space<vmem>>) dst(%dma_wait3A_57 : memref<10240x16xf32, #tpu.memory_space<vmem_shared>>)
        tpu.yield
      }) : () -> ()
    }
    %scan3A_24 = arith.constant 80 : i32
    %barrier3A_25 = arith.constant 0 : index
    tpu.barrier barrier_id(%barrier3A_25)
    %scan3A_26 = arith.constant 0 : i32
    %scan3A_27 = arith.constant 5 : i32
    %scan3A_28 = arith.addi %scan3A_26, %scan3A_27 : i32
    %scan3A_29 = arith.constant 1 : i32
    scf.for %scan3A_31 = %scan3A_26 to %scan3A_28 step %scan3A_29  : i32 {
      %mul3A_32 = arith.constant 1 : i32
      %mul3A_33 = arith.muli %scan3A_31, %mul3A_32 : i32
      %add3A_34 = arith.constant 0 : i32
      %add3A_35 = arith.addi %add3A_34, %mul3A_33 : i32
      %mul3A_36 = arith.constant 640 : i32
      %mul3A_37 = arith.muli %arg1, %mul3A_36 : i32
      %mul3A_38 = arith.constant 128 : i32
      %mul3A_39 = arith.muli %add3A_35, %mul3A_38 : i32
      %add3A_40 = arith.addi %mul3A_37, %mul3A_39 : i32
      "tpu.region"() ({
        %run_scoped3A = tpu.sem_alloc : memref<!tpu.dma_semaphore, #tpu.memory_space<semaphore_mem>>
        %dma_start3A = arith.constant 0 : i32
        %dma_start3A_41 = tpu.memref_slice %arg7[%add3A_40, %dma_start3A] : memref<10240x128xf32, #tpu.memory_space<vmem_shared>> -> memref<128x128xf32, #tpu.memory_space<vmem_shared>>
        %dma_start3A_42 = arith.constant 0 : i32
        %dma_start3A_43 = tpu.memref_slice %arg7[%add3A_40, %dma_start3A_42] : memref<10240x128xf32, #tpu.memory_space<vmem_shared>> -> memref<128x128xf32, #tpu.memory_space<vmem_shared>>
        tpu.enqueue_dma source(%dma_start3A_43 : memref<128x128xf32, #tpu.memory_space<vmem_shared>>) target(%arg9 : memref<128x128xf32, #tpu.memory_space<vmem>>) target_semaphore(%run_scoped3A : memref<!tpu.dma_semaphore, #tpu.memory_space<semaphore_mem>>)
        %dma_wait3A = arith.constant 0 : i32
        %dma_wait3A_44 = tpu.memref_slice %arg7[%add3A_40, %dma_wait3A] : memref<10240x128xf32, #tpu.memory_space<vmem_shared>> -> memref<128x128xf32, #tpu.memory_space<vmem_shared>>
        %dma_wait3A_45 = arith.constant 0 : i32
        %dma_wait3A_46 = tpu.memref_slice %arg7[%add3A_40, %dma_wait3A_45] : memref<10240x128xf32, #tpu.memory_space<vmem_shared>> -> memref<128x128xf32, #tpu.memory_space<vmem_shared>>
        tpu.wait_dma2 semaphore(%run_scoped3A : memref<!tpu.dma_semaphore, #tpu.memory_space<semaphore_mem>>) src(%dma_wait3A_46 : memref<128x128xf32, #tpu.memory_space<vmem_shared>>) dst(%arg9 : memref<128x128xf32, #tpu.memory_space<vmem>>)
        tpu.yield
      }) : () -> ()
      "tpu.region"() ({
        %run_scoped3A = tpu.sem_alloc : memref<!tpu.dma_semaphore, #tpu.memory_space<semaphore_mem>>
        %dma_start3A = arith.constant 0 : i32
        %dma_start3A_41 = tpu.memref_slice %arg5[%arg0, %add3A_40, %dma_start3A] : memref<2x10240x128xf32, #tpu.memory_space<hbm>> -> memref<1x128x128xf32, #tpu.memory_space<hbm>>
        %dma_start3A_42 = tpu.memref_squeeze %dma_start3A_41 : memref<1x128x128xf32, #tpu.memory_space<hbm>> -> memref<128x128xf32, #tpu.memory_space<hbm>>
        %dma_start3A_43 = arith.constant 0 : i32
        %dma_start3A_44 = tpu.memref_slice %arg5[%arg0, %add3A_40, %dma_start3A_43] : memref<2x10240x128xf32, #tpu.memory_space<hbm>> -> memref<1x128x128xf32, #tpu.memory_space<hbm>>
        %dma_start3A_45 = tpu.memref_squeeze %dma_start3A_44 : memref<1x128x128xf32, #tpu.memory_space<hbm>> -> memref<128x128xf32, #tpu.memory_space<hbm>>
        tpu.enqueue_dma source(%arg9 : memref<128x128xf32, #tpu.memory_space<vmem>>) target(%dma_start3A_45 : memref<128x128xf32, #tpu.memory_space<hbm>>) target_semaphore(%run_scoped3A : memref<!tpu.dma_semaphore, #tpu.memory_space<semaphore_mem>>)
        %dma_wait3A = arith.constant 0 : i32
        %dma_wait3A_46 = tpu.memref_slice %arg5[%arg0, %add3A_40, %dma_wait3A] : memref<2x10240x128xf32, #tpu.memory_space<hbm>> -> memref<1x128x128xf32, #tpu.memory_space<hbm>>
        %dma_wait3A_47 = tpu.memref_squeeze %dma_wait3A_46 : memref<1x128x128xf32, #tpu.memory_space<hbm>> -> memref<128x128xf32, #tpu.memory_space<hbm>>
        %dma_wait3A_48 = arith.constant 0 : i32
        %dma_wait3A_49 = tpu.memref_slice %arg5[%arg0, %add3A_40, %dma_wait3A_48] : memref<2x10240x128xf32, #tpu.memory_space<hbm>> -> memref<1x128x128xf32, #tpu.memory_space<hbm>>
        %dma_wait3A_50 = tpu.memref_squeeze %dma_wait3A_49 : memref<1x128x128xf32, #tpu.memory_space<hbm>> -> memref<128x128xf32, #tpu.memory_space<hbm>>
        tpu.wait_dma2 semaphore(%run_scoped3A : memref<!tpu.dma_semaphore, #tpu.memory_space<semaphore_mem>>) src(%arg9 : memref<128x128xf32, #tpu.memory_space<vmem>>) dst(%dma_wait3A_50 : memref<128x128xf32, #tpu.memory_space<hbm>>)
        tpu.yield
      }) : () -> ()
      "tpu.region"() ({
        %run_scoped3A = tpu.sem_alloc : memref<!tpu.dma_semaphore, #tpu.memory_space<semaphore_mem>>
        %dma_start3A = arith.constant 0 : i32
        %dma_start3A_41 = tpu.memref_slice %arg8[%add3A_40, %dma_start3A] : memref<10240x16xf32, #tpu.memory_space<vmem_shared>> -> memref<128x16xf32, #tpu.memory_space<vmem_shared>>
        %dma_start3A_42 = arith.constant 0 : i32
        %dma_start3A_43 = tpu.memref_slice %arg8[%add3A_40, %dma_start3A_42] : memref<10240x16xf32, #tpu.memory_space<vmem_shared>> -> memref<128x16xf32, #tpu.memory_space<vmem_shared>>
        tpu.enqueue_dma source(%dma_start3A_43 : memref<128x16xf32, #tpu.memory_space<vmem_shared>>) target(%arg12 : memref<128x16xf32, #tpu.memory_space<vmem>>) target_semaphore(%run_scoped3A : memref<!tpu.dma_semaphore, #tpu.memory_space<semaphore_mem>>)
        %dma_wait3A = arith.constant 0 : i32
        %dma_wait3A_44 = tpu.memref_slice %arg8[%add3A_40, %dma_wait3A] : memref<10240x16xf32, #tpu.memory_space<vmem_shared>> -> memref<128x16xf32, #tpu.memory_space<vmem_shared>>
        %dma_wait3A_45 = arith.constant 0 : i32
        %dma_wait3A_46 = tpu.memref_slice %arg8[%add3A_40, %dma_wait3A_45] : memref<10240x16xf32, #tpu.memory_space<vmem_shared>> -> memref<128x16xf32, #tpu.memory_space<vmem_shared>>
        tpu.wait_dma2 semaphore(%run_scoped3A : memref<!tpu.dma_semaphore, #tpu.memory_space<semaphore_mem>>) src(%dma_wait3A_46 : memref<128x16xf32, #tpu.memory_space<vmem_shared>>) dst(%arg12 : memref<128x16xf32, #tpu.memory_space<vmem>>)
        tpu.yield
      }) : () -> ()
      "tpu.region"() ({
        %run_scoped3A = tpu.sem_alloc : memref<!tpu.dma_semaphore, #tpu.memory_space<semaphore_mem>>
        %dma_start3A = arith.constant 0 : i32
        %dma_start3A_41 = tpu.memref_slice %arg6[%arg0, %add3A_40, %dma_start3A] : memref<2x10240x16xf32, #tpu.memory_space<hbm>> -> memref<1x128x16xf32, #tpu.memory_space<hbm>>
        %dma_start3A_42 = tpu.memref_squeeze %dma_start3A_41 : memref<1x128x16xf32, #tpu.memory_space<hbm>> -> memref<128x16xf32, #tpu.memory_space<hbm>>
        %dma_start3A_43 = arith.constant 0 : i32
        %dma_start3A_44 = tpu.memref_slice %arg6[%arg0, %add3A_40, %dma_start3A_43] : memref<2x10240x16xf32, #tpu.memory_space<hbm>> -> memref<1x128x16xf32, #tpu.memory_space<hbm>>
        %dma_start3A_45 = tpu.memref_squeeze %dma_start3A_44 : memref<1x128x16xf32, #tpu.memory_space<hbm>> -> memref<128x16xf32, #tpu.memory_space<hbm>>
        tpu.enqueue_dma source(%arg12 : memref<128x16xf32, #tpu.memory_space<vmem>>) target(%dma_start3A_45 : memref<128x16xf32, #tpu.memory_space<hbm>>) target_semaphore(%run_scoped3A : memref<!tpu.dma_semaphore, #tpu.memory_space<semaphore_mem>>)
        %dma_wait3A = arith.constant 0 : i32
        %dma_wait3A_46 = tpu.memref_slice %arg6[%arg0, %add3A_40, %dma_wait3A] : memref<2x10240x16xf32, #tpu.memory_space<hbm>> -> memref<1x128x16xf32, #tpu.memory_space<hbm>>
        %dma_wait3A_47 = tpu.memref_squeeze %dma_wait3A_46 : memref<1x128x16xf32, #tpu.memory_space<hbm>> -> memref<128x16xf32, #tpu.memory_space<hbm>>
        %dma_wait3A_48 = arith.constant 0 : i32
        %dma_wait3A_49 = tpu.memref_slice %arg6[%arg0, %add3A_40, %dma_wait3A_48] : memref<2x10240x16xf32, #tpu.memory_space<hbm>> -> memref<1x128x16xf32, #tpu.memory_space<hbm>>
        %dma_wait3A_50 = tpu.memref_squeeze %dma_wait3A_49 : memref<1x128x16xf32, #tpu.memory_space<hbm>> -> memref<128x16xf32, #tpu.memory_space<hbm>>
        tpu.wait_dma2 semaphore(%run_scoped3A : memref<!tpu.dma_semaphore, #tpu.memory_space<semaphore_mem>>) src(%arg12 : memref<128x16xf32, #tpu.memory_space<vmem>>) dst(%dma_wait3A_50 : memref<128x16xf32, #tpu.memory_space<hbm>>)
        tpu.yield
      }) : () -> ()
    }
    %scan3A_30 = arith.constant 5 : i32
    return
  }
}

module attributes {stable_mosaic.version = 14 : i64} {
  func.func @_final_body(%arg0: i32, %arg1: memref<1280x128xf32, #tpu.memory_space<vmem>>, %arg2: memref<2x1280x128xf32, #tpu.memory_space<vmem>>, %arg3: memref<2x1280x16xf32, #tpu.memory_space<vmem>>, %arg4: memref<128x128xf32, #tpu.memory_space<vmem>>, %arg5: memref<128x128xf32, #tpu.memory_space<vmem>>, %arg6: memref<1x128xf32, #tpu.memory_space<vmem>>, %arg7: memref<1280x128xf32, #tpu.memory_space<vmem>>) attributes {dimension_semantics = [#tpu.dimension_semantics<arbitrary>], iteration_bounds = array<i64: 8>, scalar_prefetch = 0 : i64, scratch_operands = 0 : i64, tpu.core_type = #tpu.core_type<tc>, window_params = [{transform_indices = @transform_0, window_bounds = array<i64: 1280, 128>}, {transform_indices = @transform_1, window_bounds = array<i64: 2, 1280, 128>}, {transform_indices = @transform_2, window_bounds = array<i64: 2, 1280, 16>}, {pipeline_mode = #tpu.pipeline_mode<synchronous>, transform_indices = @transform_3, window_bounds = array<i64: 128, 128>}, {pipeline_mode = #tpu.pipeline_mode<synchronous>, transform_indices = @transform_4, window_bounds = array<i64: 128, 128>}, {pipeline_mode = #tpu.pipeline_mode<synchronous>, transform_indices = @transform_5, window_bounds = array<i64: 1, 128>}, {transform_indices = @transform_6, window_bounds = array<i64: 1280, 128>}]} {
    %get3A = arith.constant 0 : index
    %get3A_0 = arith.constant 0 : index
    %get3A_1 = arith.constant 0 : index
    %get3A_2 = vector.load %arg3[%get3A, %get3A_0, %get3A_1] : memref<2x1280x16xf32, #tpu.memory_space<vmem>>, vector<1x1280x16xf32>
    %get3A_3 = vector.shape_cast %get3A_2 : vector<1x1280x16xf32> to vector<1280x16xf32>
    %get3A_4 = arith.constant 1 : index
    %get3A_5 = arith.constant 0 : index
    %get3A_6 = arith.constant 0 : index
    %get3A_7 = vector.load %arg3[%get3A_4, %get3A_5, %get3A_6] : memref<2x1280x16xf32, #tpu.memory_space<vmem>>, vector<1x1280x16xf32>
    %get3A_8 = vector.shape_cast %get3A_7 : vector<1x1280x16xf32> to vector<1280x16xf32>
    %add3A = arith.addf %get3A_3, %get3A_8 : vector<1280x16xf32>
    %slice3A = vector.extract_strided_slice %add3A {offsets = [0, 0], sizes = [1280, 1], strides = [1, 1]} : vector<1280x16xf32> to vector<1280x1xf32>
    %max3A = arith.constant 1.000000e+00 : f32
    %max3A_9 = vector.broadcast %max3A : f32 to vector<1280x1xf32>
    %max3A_10 = arith.maximumf %slice3A, %max3A_9 : vector<1280x1xf32>
    %get3A_11 = arith.constant 0 : index
    %get3A_12 = arith.constant 0 : index
    %get3A_13 = arith.constant 0 : index
    %get3A_14 = vector.load %arg2[%get3A_11, %get3A_12, %get3A_13] : memref<2x1280x128xf32, #tpu.memory_space<vmem>>, vector<1x1280x128xf32>
    %get3A_15 = vector.shape_cast %get3A_14 : vector<1x1280x128xf32> to vector<1280x128xf32>
    %get3A_16 = arith.constant 1 : index
    %get3A_17 = arith.constant 0 : index
    %get3A_18 = arith.constant 0 : index
    %get3A_19 = vector.load %arg2[%get3A_16, %get3A_17, %get3A_18] : memref<2x1280x128xf32, #tpu.memory_space<vmem>>, vector<1x1280x128xf32>
    %get3A_20 = vector.shape_cast %get3A_19 : vector<1x1280x128xf32> to vector<1280x128xf32>
    %add3A_21 = arith.addf %get3A_15, %get3A_20 : vector<1280x128xf32>
    %div3A = vector.broadcast %max3A_10 : vector<1280x1xf32> to vector<1280x128xf32>
    %div3A_22 = arith.divf %add3A_21, %div3A : vector<1280x128xf32>
    %get3A_23 = arith.constant 0 : index
    %get3A_24 = arith.constant 0 : index
    %get3A_25 = vector.load %arg4[%get3A_23, %get3A_24] : memref<128x128xf32, #tpu.memory_space<vmem>>, vector<128x128xf32>
    %dot_general3A = arith.constant dense<0.000000e+00> : vector<1280x128xf32>
    %dot_general3A_26 = tpu.matmul %div3A_22, %get3A_25, %dot_general3A {dimension_numbers = #tpu.dot_dimension_numbers<[1], [1], [0], [0], [0, 0, 1, 0], [], []>, transpose_lhs_hint = false} : vector<1280x128xf32>, vector<128x128xf32>, vector<1280x128xf32> -> vector<1280x128xf32>
    %get3A_27 = arith.constant 0 : index
    %get3A_28 = arith.constant 0 : index
    %get3A_29 = vector.load %arg1[%get3A_27, %get3A_28] : memref<1280x128xf32, #tpu.memory_space<vmem>>, vector<1280x128xf32>
    %get3A_30 = arith.constant 0 : index
    %get3A_31 = arith.constant 0 : index
    %get3A_32 = vector.load %arg5[%get3A_30, %get3A_31] : memref<128x128xf32, #tpu.memory_space<vmem>>, vector<128x128xf32>
    %dot_general3A_33 = arith.constant dense<0.000000e+00> : vector<1280x128xf32>
    %dot_general3A_34 = tpu.matmul %get3A_29, %get3A_32, %dot_general3A_33 {dimension_numbers = #tpu.dot_dimension_numbers<[1], [1], [0], [0], [0, 0, 1, 0], [], []>, transpose_lhs_hint = false} : vector<1280x128xf32>, vector<128x128xf32>, vector<1280x128xf32> -> vector<1280x128xf32>
    %get3A_35 = arith.constant 0 : index
    %get3A_36 = arith.constant 0 : index
    %get3A_37 = vector.load %arg6[%get3A_35, %get3A_36] : memref<1x128xf32, #tpu.memory_space<vmem>>, vector<1x128xf32>
    %add3A_38 = vector.broadcast %get3A_37 : vector<1x128xf32> to vector<1280x128xf32>
    %add3A_39 = arith.addf %dot_general3A_34, %add3A_38 : vector<1280x128xf32>
    %add3A_40 = arith.addf %add3A_39, %dot_general3A_26 : vector<1280x128xf32>
    %swap3A = arith.constant 0 : index
    %swap3A_41 = arith.constant 0 : index
    %swap3A_42 = vector.load %arg7[%swap3A, %swap3A_41] : memref<1280x128xf32, #tpu.memory_space<vmem>>, vector<1280x128xf32>
    tpu.vector_store %arg7[%swap3A, %swap3A_41], %add3A_40 {strides = array<i32>} : memref<1280x128xf32, #tpu.memory_space<vmem>>, vector<1280x128xf32>,
    return
  }
  func.func @transform_0(%arg0: i32) -> (i32, i32) {
    %c0_i32 = arith.constant 0 : i32
    %c0_i32_0 = arith.constant 0 : i32
    return %arg0, %c0_i32 : i32, i32
  }
  func.func @transform_1(%arg0: i32) -> (i32, i32, i32) {
    %c0_i32 = arith.constant 0 : i32
    %c0_i32_0 = arith.constant 0 : i32
    %c0_i32_1 = arith.constant 0 : i32
    return %c0_i32, %arg0, %c0_i32_0 : i32, i32, i32
  }
  func.func @transform_2(%arg0: i32) -> (i32, i32, i32) {
    %c0_i32 = arith.constant 0 : i32
    %c0_i32_0 = arith.constant 0 : i32
    %c0_i32_1 = arith.constant 0 : i32
    return %c0_i32, %arg0, %c0_i32_0 : i32, i32, i32
  }
  func.func @transform_3(%arg0: i32) -> (i32, i32) {
    %c0_i32 = arith.constant 0 : i32
    %c0_i32_0 = arith.constant 0 : i32
    %c0_i32_1 = arith.constant 0 : i32
    return %c0_i32, %c0_i32_0 : i32, i32
  }
  func.func @transform_4(%arg0: i32) -> (i32, i32) {
    %c0_i32 = arith.constant 0 : i32
    %c0_i32_0 = arith.constant 0 : i32
    %c0_i32_1 = arith.constant 0 : i32
    return %c0_i32, %c0_i32_0 : i32, i32
  }
  func.func @transform_5(%arg0: i32) -> (i32, i32) {
    %c0_i32 = arith.constant 0 : i32
    %c0_i32_0 = arith.constant 0 : i32
    %c0_i32_1 = arith.constant 0 : i32
    return %c0_i32, %c0_i32_0 : i32, i32
  }
  func.func @transform_6(%arg0: i32) -> (i32, i32) {
    %c0_i32 = arith.constant 0 : i32
    %c0_i32_0 = arith.constant 0 : i32
    return %arg0, %c0_i32 : i32, i32
  }
}

</mosaic_0001>

<sc_bundles>
// kernel: kernel.5.cloned.1.call-start
scs
__scs_entry_jumppad:
0x0: {  	(pc) =	sbr.rel $0x88, $3  }
0x1: {  	(tag) =	ssettag $0x0;
	lr =	simm.s32 $0x1  }
0x2: {  	[smem:$0x3F9A] =	sst lr;
	_ =	strace $0xD0000000  }
0x3: {  	_ = 	snop  }
0x4: {  	_ = 	snop  }
0x5: {  	_ = 	snop  }
0x6: {  	_ = 	snop  }
0x7: {  	_ = 	snop  }
__scs_overlays_trampoline_lowered:
0x8: {  	[smem:$0x3FA9] =	sst s0  }
0x9: {  	[smem:$0x3FAA] =	sst s1  }
0xa: {  	[smem:$0x3FAB] =	sst s2  }
0xb: {  	[smem:$0x3FAC] =	sst s3  }
0xc: {  	[smem:$0x3FAD] =	sst s4  }
0xd: {  	[smem:$0x3FAE] =	sst s5  }
0xe: {  	[smem:$0x3FAF] =	sst s6  }
0xf: {  	[smem:$0x3FB0] =	sst s7  }
0x10: {  	[smem:$0x3FB1] =	sst s8  }
0x11: {  	[smem:$0x3FB2] =	sst s9;
	s0 =	simm.s32 @!p0 $0x0  }
0x12: {  	s1 =	sld [smem:$0x3F98];
	s0 =	simm.s32 @p0 $0x1  }
0x13: {  	[smem:$0x3FB3] =	sst s0;
	s0 =	simm.s32 @!p1 $0x0  }
0x14: {  	s2 =	sld [smem:$0x3F97];
	s0 =	simm.s32 @p1 $0x1  }
0x15: {  	[smem:$0x3FB4] =	sst s0;
	s0 =	simm.s32 @!p2 $0x0  }
0x16: {  	s3 =	sld [smem:$0x3FDB];
	s0 =	simm.s32 @p2 $0x1  }
0x17: {  	s4 =	simm.s32 $0x1BF5;
	[smem:$0x3FB6] =	sst s0  }
0x18: {  	s0 =	sld [smem:$0x3F99];
	_ =	swait.ge [sflag:s4], $0x0  }
0x19: {  	s7 =	sld [smem:$0x3F9A]  }
0x1a: {  	s8 =	sadd.s32 $0xFFFFE003, lr  }
0x1b: {  	s9 =	sadd.s32 $0xFFFFFEF7, lr;
	s5 =	simm.s32 $0xFFFFFFFF;
	p2 =	slt.u32 s8, $0xFFFFF086  }
0x1c: {  	p1 =	slt.u32 s9, $0xF7A;
	s5 =	simm.s32 @!p2 $0x0  }
0x1d: {  	s5 =	simm.s32 @p1 $0x1;
	p0 =	seq.s32 s7, s2  }
0x1e: {  	s7 =	smul.u32 @!p0 $0xF7A, s2;
	p2 =	seq.s32 @!p0 s5, $0x0  }
0x1f: {  	s9 =	smul.u32 $0xF7A, s1;
	s8 =	simm.s32 @!p0 $0x1BF5;
	p2 =	por !p2, p0  }
0x20: {  	[sflag:s8] =	ssyncset.s32 @!p0 $0xFFFFF086;
	s6 =	sadd.s32 @!p0 s3, s7;
	s7 =	simm.s32 @!p0 $0x108  }
0x21: {  	s3 =	sadd.s32 s3, s9;
	s6 =	sadd.s32 @!p0 $0x88, s6;
	s7 =	simm.s32 @p2 $0x1082  }
0x22: {  	[simem:s7], [sflag:s8] =	dma.local @!p0 [hbm:s6], $0xF7A  }
0x23: {  	s9 =	sor.u32 $0xD0000000, s2;
	s6 =	simm.s32 $0x108;
	_ =	swait.ge @!p0 [sflag:s8], $0x0  }
0x24: {  	s3 =	sadd.s32 $0x88, s3;
	s6 =	simm.s32 @!p1 $0x1082;
	[sflag:s4] =	ssyncset.s32 $0xFFFFF086  }
0x25: {  	[simem:s6], [sflag:s4] =	dma.local [hbm:s3], $0xF7A  }
0x26: {  	[smem:$0x3F9A] =	sst s1;
	(tag) =	ssettag s2;
	_ =	strace s9  }
0x27: {  	s1 =	sld [smem:$0x3FAA]  }
0x28: {  	s2 =	sld [smem:$0x3FAB]  }
0x29: {  	s4 =	sld [smem:$0x3FAD]  }
0x2a: {  	p0 =	seq.s32 s5, $0x0;
	s5 =	sld [smem:$0x3FAE]  }
0x2b: {  	s6 =	sld [smem:$0x3FAF]  }
0x2c: {  	s7 =	sld [smem:$0x3FB0]  }
0x2d: {  	s3 =	simm.s32 $0x108;
	s8 =	sld [smem:$0x3FB1]  }
0x2e: {  	s3 =	simm.s32 @!p0 $0x1082;
	s9 =	sld [smem:$0x3FB2]  }
0x2f: {  	lr =	sadd.s32 s0, s3;
	s0 =	sld [smem:$0x3FA9]  }
0x30: {  	s3 =	sld [smem:$0x3FAC]  }
0x31: {  	[smem:$0x3FB5] =	sst s10  }
0x32: {  	s10 =	sld [smem:$0x3FB3];
	_ =	sdelay $0x3  }
0x33: {  	p0 =	seq.s32 s10, $0x1;
	s10 =	sld [smem:$0x3FB5];
	_ =	sdelay $0x3  }
0x34: {  	[smem:$0x3FB5] =	sst s10  }
0x35: {  	s10 =	sld [smem:$0x3FB4];
	_ =	sdelay $0x3  }
0x36: {  	p1 =	seq.s32 s10, $0x1;
	s10 =	sld [smem:$0x3FB5];
	_ =	sdelay $0x3  }
0x37: {  	[smem:$0x3FB5] =	sst s10  }
0x38: {  	s10 =	sld [smem:$0x3FB6]  }
0x39: {  	_ = 	snop;
	(pc) =	sbr.ind lr, $3  }
0x3a: {  	_ = 	snop  }
0x3b: {  	_ = 	snop  }
0x3c: {  	p2 =	seq.s32 s10, $0x1;
	s10 =	sld [smem:$0x3FB5]  }
0x3d: {  	_ =	shalt  }
0x3e: {  	_ =	shalt  }
0x3f: {  	_ =	shalt  }
0x40: {  	_ =	shalt  }
0x41: {  	_ =	shalt  }
0x42: {  	_ =	shalt  }
0x43: {  	_ =	shalt  }
0x44: {  	_ =	shalt  }
0x45: {  	_ =	shalt  }
0x46: {  	_ =	shalt  }
0x47: {  	_ =	shalt  }
0x48: {  	_ =	shalt  }
0x49: {  	_ =	shalt  }
0x4a: {  	_ =	shalt  }
0x4b: {  	_ =	shalt  }
0x4c: {  	_ =	shalt  }
0x4d: {  	_ =	shalt  }
0x4e: {  	_ =	shalt  }
0x4f: {  	_ =	shalt  }
0x50: {  	_ =	shalt  }
0x51: {  	_ =	shalt  }
0x52: {  	_ =	shalt  }
0x53: {  	_ =	shalt  }
0x54: {  	_ =	shalt  }
0x55: {  	_ =	shalt  }
0x56: {  	_ =	shalt  }
0x57: {  	_ =	shalt  }
0x58: {  	_ =	shalt  }
0x59: {  	_ =	shalt  }
0x5a: {  	_ =	shalt  }
0x5b: {  	_ =	shalt  }
0x5c: {  	_ =	shalt  }
0x5d: {  	_ =	shalt  }
0x5e: {  	_ =	shalt  }
0x5f: {  	_ =	shalt  }
0x60: {  	_ =	shalt  }
0x61: {  	_ =	shalt  }
0x62: {  	_ =	shalt  }
0x63: {  	_ =	shalt  }
0x64: {  	_ =	shalt  }
0x65: {  	_ =	shalt  }
0x66: {  	_ =	shalt  }
0x67: {  	_ =	shalt  }
0x68: {  	_ =	shalt  }
0x69: {  	_ =	shalt  }
0x6a: {  	_ =	shalt  }
0x6b: {  	_ =	shalt  }
0x6c: {  	_ =	shalt  }
0x6d: {  	_ =	shalt  }
0x6e: {  	_ =	shalt  }
0x6f: {  	_ =	shalt  }
0x70: {  	_ =	shalt  }
0x71: {  	_ =	shalt  }
0x72: {  	_ =	shalt  }
0x73: {  	_ =	shalt  }
0x74: {  	_ =	shalt  }
0x75: {  	_ =	shalt  }
0x76: {  	_ =	shalt  }
0x77: {  	_ =	shalt  }
0x78: {  	_ =	shalt  }
0x79: {  	_ =	shalt  }
0x7a: {  	_ =	shalt  }
0x7b: {  	_ =	shalt  }
0x7c: {  	_ =	shalt  }
0x7d: {  	_ =	shalt  }
0x7e: {  	_ =	shalt  }
0x7f: {  	_ =	shalt  }
0x80: {  	_ =	shalt  }
0x81: {  	_ =	shalt  }
0x82: {  	_ =	shalt  }
0x83: {  	_ =	shalt  }
0x84: {  	_ =	shalt  }
0x85: {  	_ =	shalt  }
0x86: {  	_ =	shalt  }
0x87: {  	_ =	shalt  }
.Lfunc_end0:
.L_simem_size_0:
called_computation_lowered:
.L_overlay_start_0:
0x88: {  	s2 =	sld [smem:$0x3FD9]  }
0x89: {  	s3 =	sld [smem:$0x3FFE];
	_ =	sdelay $0x1  }
0x8a: {  	s1 =	srdreg.scid  }
0x8b: {  	s0 =	sand.u32 $0x1, s1  }
0x8c: {  	s17 =	sshll.u32 s0, $0xA;
	s2 =	sadd.s32 s3, s2  }
0x8d: {  	s2 =	sadd.s32 s2, s17  }
0x8e: {  	[smem:$0x3FC1] =	sst s2  }
0x8f: {  	_ = 	snop  }
0x90: {  	s2 =	sld [smem:$0x3FD0];
	(tm) =	ssettm $0x1  }
0x91: {  	s18 =	sld [smem:$0x3FFB];
	_ =	sdelay $0x3  }
0x92: {  	_ =	strace s18  }
0x93: {  	s3 =	sld [smem:$0x3FFC];
	_ =	sdelay $0x3  }
0x94: {  	_ =	strace s3  }
0x95: {  	s3 =	sld [smem:$0x3FFD];
	_ =	sdelay $0x3  }
0x96: {  	_ =	strace s3  }
0x97: {  	_ =	strace $0x8FFFFFFF  }
0x98: {  	s19 =	sld [smem:$0x3FDB];
	_ =	sdelay $0x1  }
0x99: {  	s4 =	simm.s32 $_scs_section_size  }
0x9a: {  	s5 =	simm.s32 $_size__tile_overlayer_lowered;
	s6 =	simm.s32 $_tile_overlayer_lowered  }
0x9b: {  	s22 =	simm.s32 $0x1BFF;
	s21 =	sshll.u32 s6, $0x1;
	s3 =	sadd.s32 s4, s19  }
0x9c: {  	s7 =	simm.s32 $0x0;
	s20 =	sshll.u32 s5, $0x1;
	s5 =	sadd.s32 s21, s3  }
0x9d: {  	[timem:s7], [sflag:s22] =	dma.local [hbm:s5], s20  }
0x9e: {  	_ =	swait.ge [sflag:s22], s20  }
0x9f: {  	s4 =	ssub.s32 $0x0, s20;
	[sflag:s22] =	ssyncset.done $0x0  }
0xa0: {  	[sflag:s22] =	ssyncadd.s32 s4;
	_ =	sdelay $0x1  }
0xa1: {  	s23 =	simm.s32 $0x1B8B  }
0xa2: {  	_ =	swait.ge [sflag:s23], $0x1  }
0xa3: {  	[sflag:s23] =	ssyncset.done $0x0  }
0xa4: {  	s25 =	simm.s32 $0x1B8E;
	s24 =	sld [smem:$0x3FFE];
	[sflag:s23] =	ssyncadd.s32 $0xFFFFFFFF  }
0xa5: {  	s26 =	simm.s32 $execute0_lowered;
	[smem:$0x3FD2] =	sst s25  }
0xa6: {  	s5 =	sshll.u32 s26, $0x1;
	_ =	strace $0x80000046;
	[dreg:$0x1] =	wrdreg $0xFFFFFFFF  }
0xa7: {  	s28 =	simm.s32 $_size_execute0_lowered;
	s3 =	sadd.s32 s3, s5;
	[dreg:$0x0] =	wrdreg $0x0  }
0xa8: {  	s5 =	sshll.u32 s28, $0x1;
	[dreg:$0x2] =	wrdreg s3  }
0xa9: {  	[dreg:$0x3] =	wrdreg s5  }
0xaa: {  	[dreg:$0x4] =	wrdreg $0xC0  }
0xab: {  	_ =	task [dreg:s7], $0x5FFFF  }
0xac: {  	[dreg:$0x1] =	wrdreg $0xFFFFFFFF  }
0xad: {  	[dreg:$0x0] =	wrdreg $0x60  }
0xae: {  	[dreg:$0x2] =	wrdreg s2  }
0xaf: {  	[dreg:$0x3] =	wrdreg s24  }
0xb0: {  	[dreg:$0x4] =	wrdreg $0x9  }
0xb1: {  	_ =	task.clear_ibuf [dreg:s7], $0x5FFFF;
	_ =	strace $0x90000046  }
0xb2: {  	s29 =	simm.s32 $0x9;
	_ =	strace $0x80000048  }
0xb3: {  	_ =	swait.ge [sflag:s29], $0x1  }
0xb4: {  	[sflag:s29] =	ssyncadd.s32 $0xFFFFFFFF  }
0xb5: {  	_ =	strace $0x90000048  }
0xb6: {  	_ =	sfence  }
0xb7: {  	s30 =	sld [smem:$0x0];
	_ =	sdelay $0x2  }
0xb8: {  	s31 =	sshll.u32 s1, $0xD;
	s1 =	sshrl.u32 s1, $0x2  }
0xb9: {  	s3 =	sand.u32 $0x4000, s31;
	s1 =	sadd.s32 s1, s30  }
0xba: {  	s0 =	sor.u32 s3, s0;
	s1 =	sshll.u32 s1, $0x11  }
0xbb: {  	s0 =	sor.u32 s1, s0  }
0xbc: {  	s0 =	sadd.s32 $0x8F2B, s0  }
0xbd: {  	[sflag:s0] =	ssyncadd.remote.s32 $0x1  }
0xbe: {  	_ =	sfence.sel $0xFFFF  }
0xbf: {  	[dreg:$0x0] =	wrdreg $0xFFFFFFFF;
	(pc) =	sbr.abs _section_cstart, $3  }
0xc0: {  	[dreg:$0x1] =	wrdreg $0xFFFFFFFF  }
0xc1: {  	_ =	task.clear_ibuf [dreg:s7], $0x2FFFF;
	_ =	strace $0x9FFFFFFF  }
0xc2: {  	(tm) =	ssettm $0x7FFFFFFF  }
0xc3: {  	_ =	shalt  }
tec
execute0_lowered:
.L_overlay_start_1:
0x0: {  	(tag) =	ssettag $0x1  }
0x1: {  	s1 =	srdreg.scid;
	s0 =	stileid.u32  }
0x2: {  	s3 =	rddreg [dreg:$0x0];
	s4 =	sand.u32 $0x1, s1;
	s30 =	sshll.u32 s0, $0x1  }
0x3: {  	s5 =	rddreg [dreg:$0x1];
	s2 =	simm.s32 $0x0;
	s6 =	sor.u32 s4, s30  }
0x4: {  	s9 =	simm.s32 $0xC800;
	s10 =	simm.s32 $0x0;
	s7 =	smul.u32 $0x500, s6  }
0x5: {  	[smem:$0x7FF] =	sst s2;
	s4 =	ssub.s32 $0x2, s4;
	s6 =	smul.u32 $0x1400, s6  }
0x6: {  	s1 =	rddreg [dreg:$0x2];
	_ =	strace $0x80000047;
	s31 =	sshrl.u32 s4, $0x1  }
0x7: {  	s8 =	sadd.s32 s7, s5;
	s5 =	sadd.s32 s6, s5;
	s6 =	ssub.s32 s4, s31  }
0x8: {  	s3 =	sadd.s32 s3, s7;
	s7 =	simm.s32 $0xA000;
	s4 =	sadd.s32 $0x1A00, s8  }
0x9: {  	v0 =	vimm.f32 $0.0e+00;
	s5 =	sadd.s32 $0xBA00, s5;
	s6 =	smax.u32 s6, $0x1;
	s8 =	simm.s32 $0x1  }
.LBB2_1:
0xa: {  	s11 =	simm.s32 $0x40;
	s12 =	simm.s32 $0x0  }
.LBB2_2:
0xb: {  	p0 =	sne.s32 s11, $0x27FC0;
	[tilespmem:s12+$0x0] =	vst v0;
	s12 =	smov.u32 s11;
	s11 =	sadd.s32 $0x40, s11  }
.Ltmp0:
0xc: {  	(pc) =	sbr.rel @p0 .LBB2_2-.Ltmp0, $2  }
0xd: {  	_ =	sdelay $0x2  }
0xe: {  	s12 =	sshra.s32 s12, $0x2  }
0xf: {  	[tilespmem:s12+$0x0] =	vst v0;
	s11 =	simm.s32 $0x0  }
0x10: {  	[tilespmem:s7], [sflag:$0x1] =	stream.linear.gather [hbm4b:s3+s11], $0x2800, $0x38;
	[tilespmem:$0xF000] =	vst v63  }
0x11: {  	_ =	swait.ge [sflag:s8], $0x2800  }
0x12: {  	[sflag:s8] =	ssyncset.done $0x0  }
0x13: {  	[sflag:s8] =	ssyncadd.s32 $0xFFFFD800  }
0x14: {  	[tilespmem:s9], [sflag:$0x1] =	stream.linear.gather [hbm4b:s4+s11], $0x2800, $0x38;
	[tilespmem:$0xF000] =	vst v63  }
0x15: {  	_ =	swait.ge [sflag:s8], $0x2800  }
0x16: {  	[sflag:s8] =	ssyncset.done $0x0  }
0x17: {  	[sflag:s8] =	ssyncadd.s32 $0xFFFFD800  }
.LBB2_4:
0x18: {  	s12 =	sshra.s32 s11, $0x2  }
0x19: {  	v1 =	vld [tilespmem:s12+$0xA000];
	_ =	sdelay $0x4  }
0x1a: {  	v2 =	vld [tilespmem:s12+$0xC800];
	v1 =	vadd.s32 s11, v1;
	_ =	sdelay $0x4  }
0x1b: {  	[tilespmem:v1+s2+$0x0] =	vst.idx.msk $0xffff, v2  }
0x1c: {  	v1 =	vld [tilespmem:s12+$0xA010];
	_ =	sdelay $0x4  }
0x1d: {  	p0 =	sne.s32 s11, $0x9F80;
	v2 =	vld [tilespmem:s12+$0xC810];
	v1 =	vadd.s32 s11, v1  }
.Ltmp1:
0x1e: {  	_ = 	snop;
	(pc) =	sbr.rel @p0 .LBB2_4-.Ltmp1, $2  }
0x1f: {  	_ =	sdelay $0x2  }
0x20: {  	s11 =	sadd.s32 $0x80, s11;
	[tilespmem:v1+s2+$0x0] =	vst.idx.msk $0xffff, v2  }
0x21: {  	s10 =	sadd.s32 $0x1, s10  }
0x22: {  	p0 =	sne.s32 s10, s6  }
.Ltmp2:
0x23: {  	_ = 	snop;
	(pc) =	sbr.rel @p0 .LBB2_1-.Ltmp2, $4  }
0x24: {  	[hbm4b:s5+s2] =	stream.linear.scatter [tilespmem:s2], [sflag:$0x1], $0xA000, $0x38;
	[tilespmem:$0xF000] =	vst v63  }
0x25: {  	_ =	swait.ge [sflag:s8], $0xA000  }
0x26: {  	[sflag:s8] =	ssyncset.done $0x0  }
0x27: {  	[sflag:s8] =	ssyncadd.s32 $0xFFFF6000  }
0x28: {  	_ =	sfence.sel $0x180000  }
0x29: {  	[bflag:$0x0] =	sbarrier.arrive $0xFFFF  }
0x2a: {  	p0 =	sne.s32 s0, $0x0;
	_ =	strace $0x90000047  }
0x2b: {  	s0 =	sadd.s32 @!p0 $0x100000, s1;
	[bflag:$0x2] =	sbarrier.arrive $0xFFFF  }
0x2c: {  	[sflag:s0] =	ssyncadd.tile.s32 @!p0 $0x1;
	_ =	shalt  }
.Lfunc_end2:
_tile_overlayer_lowered:
.L_overlay_start_2:
0x2d: {  	(tag) =	ssettag $0x2  }
0x2e: {  	s0 =	rddreg [dreg:$0x0];
	s2 =	stileid.u32  }
0x2f: {  	s1 =	rddreg [dreg:$0x1];
	p0 =	sne.s32 s2, $0x0  }
0x30: {  	s3 =	rddreg [dreg:$0x2];
	[bflag:$0x3] =	sbarrier.arrive $0xFFFF;
	s2 =	simm.s32 @!p0 $0x1C01  }
0x31: {  	[timem:s3], [sflag:s2] =	dma.local @!p0 [hbm:s0], s1  }
0x32: {  	s0 =	simm.s32 @!p0 $0x1  }
0x33: {  	_ =	swait.ge @!p0 [sflag:s0], s1  }
0x34: {  	s1 =	ssub.s32 @!p0 $0x0, s1;
	[sflag:s0] =	ssyncset.done @!p0 $0x0  }
0x35: {  	[sflag:s0] =	ssyncadd.s32 @!p0 s1  }
0x36: {  	[bflag:$0x3] =	sbarrier.arrive $0xFFFF  }
0x37: {  	_ =	shalt  }

// kernel: kernel.8.cloned.1.call-start
scs
__scs_entry_jumppad:
0x0: {  	(pc) =	sbr.rel $0x88, $3  }
0x1: {  	(tag) =	ssettag $0x0;
	lr =	simm.s32 $0x1  }
0x2: {  	[smem:$0x3F9A] =	sst lr;
	_ =	strace $0xD0000000  }
0x3: {  	_ = 	snop  }
0x4: {  	_ = 	snop  }
0x5: {  	_ = 	snop  }
0x6: {  	_ = 	snop  }
0x7: {  	_ = 	snop  }
__scs_overlays_trampoline_lowered:
0x8: {  	[smem:$0x3FA9] =	sst s0  }
0x9: {  	[smem:$0x3FAA] =	sst s1  }
0xa: {  	[smem:$0x3FAB] =	sst s2  }
0xb: {  	[smem:$0x3FAC] =	sst s3  }
0xc: {  	[smem:$0x3FAD] =	sst s4  }
0xd: {  	[smem:$0x3FAE] =	sst s5  }
0xe: {  	[smem:$0x3FAF] =	sst s6  }
0xf: {  	[smem:$0x3FB0] =	sst s7  }
0x10: {  	[smem:$0x3FB1] =	sst s8  }
0x11: {  	[smem:$0x3FB2] =	sst s9;
	s0 =	simm.s32 @!p0 $0x0  }
0x12: {  	s1 =	sld [smem:$0x3F98];
	s0 =	simm.s32 @p0 $0x1  }
0x13: {  	[smem:$0x3FB3] =	sst s0;
	s0 =	simm.s32 @!p1 $0x0  }
0x14: {  	s2 =	sld [smem:$0x3F97];
	s0 =	simm.s32 @p1 $0x1  }
0x15: {  	[smem:$0x3FB4] =	sst s0;
	s0 =	simm.s32 @!p2 $0x0  }
0x16: {  	s3 =	sld [smem:$0x3FDB];
	s0 =	simm.s32 @p2 $0x1  }
0x17: {  	s4 =	simm.s32 $0x1BF5;
	[smem:$0x3FB6] =	sst s0  }
0x18: {  	s0 =	sld [smem:$0x3F99];
	_ =	swait.ge [sflag:s4], $0x0  }
0x19: {  	s7 =	sld [smem:$0x3F9A]  }
0x1a: {  	s8 =	sadd.s32 $0xFFFFE003, lr  }
0x1b: {  	s9 =	sadd.s32 $0xFFFFFEF7, lr;
	s5 =	simm.s32 $0xFFFFFFFF;
	p2 =	slt.u32 s8, $0xFFFFF086  }
0x1c: {  	p1 =	slt.u32 s9, $0xF7A;
	s5 =	simm.s32 @!p2 $0x0  }
0x1d: {  	s5 =	simm.s32 @p1 $0x1;
	p0 =	seq.s32 s7, s2  }
0x1e: {  	s7 =	smul.u32 @!p0 $0xF7A, s2;
	p2 =	seq.s32 @!p0 s5, $0x0  }
0x1f: {  	s9 =	smul.u32 $0xF7A, s1;
	s8 =	simm.s32 @!p0 $0x1BF5;
	p2 =	por !p2, p0  }
0x20: {  	[sflag:s8] =	ssyncset.s32 @!p0 $0xFFFFF086;
	s6 =	sadd.s32 @!p0 s3, s7;
	s7 =	simm.s32 @!p0 $0x108  }
0x21: {  	s3 =	sadd.s32 s3, s9;
	s6 =	sadd.s32 @!p0 $0x88, s6;
	s7 =	simm.s32 @p2 $0x1082  }
0x22: {  	[simem:s7], [sflag:s8] =	dma.local @!p0 [hbm:s6], $0xF7A  }
0x23: {  	s9 =	sor.u32 $0xD0000000, s2;
	s6 =	simm.s32 $0x108;
	_ =	swait.ge @!p0 [sflag:s8], $0x0  }
0x24: {  	s3 =	sadd.s32 $0x88, s3;
	s6 =	simm.s32 @!p1 $0x1082;
	[sflag:s4] =	ssyncset.s32 $0xFFFFF086  }
0x25: {  	[simem:s6], [sflag:s4] =	dma.local [hbm:s3], $0xF7A  }
0x26: {  	[smem:$0x3F9A] =	sst s1;
	(tag) =	ssettag s2;
	_ =	strace s9  }
0x27: {  	s1 =	sld [smem:$0x3FAA]  }
0x28: {  	s2 =	sld [smem:$0x3FAB]  }
0x29: {  	s4 =	sld [smem:$0x3FAD]  }
0x2a: {  	p0 =	seq.s32 s5, $0x0;
	s5 =	sld [smem:$0x3FAE]  }
0x2b: {  	s6 =	sld [smem:$0x3FAF]  }
0x2c: {  	s7 =	sld [smem:$0x3FB0]  }
0x2d: {  	s3 =	simm.s32 $0x108;
	s8 =	sld [smem:$0x3FB1]  }
0x2e: {  	s3 =	simm.s32 @!p0 $0x1082;
	s9 =	sld [smem:$0x3FB2]  }
0x2f: {  	lr =	sadd.s32 s0, s3;
	s0 =	sld [smem:$0x3FA9]  }
0x30: {  	s3 =	sld [smem:$0x3FAC]  }
0x31: {  	[smem:$0x3FB5] =	sst s10  }
0x32: {  	s10 =	sld [smem:$0x3FB3];
	_ =	sdelay $0x3  }
0x33: {  	p0 =	seq.s32 s10, $0x1;
	s10 =	sld [smem:$0x3FB5];
	_ =	sdelay $0x3  }
0x34: {  	[smem:$0x3FB5] =	sst s10  }
0x35: {  	s10 =	sld [smem:$0x3FB4];
	_ =	sdelay $0x3  }
0x36: {  	p1 =	seq.s32 s10, $0x1;
	s10 =	sld [smem:$0x3FB5];
	_ =	sdelay $0x3  }
0x37: {  	[smem:$0x3FB5] =	sst s10  }
0x38: {  	s10 =	sld [smem:$0x3FB6]  }
0x39: {  	_ = 	snop;
	(pc) =	sbr.ind lr, $3  }
0x3a: {  	_ = 	snop  }
0x3b: {  	_ = 	snop  }
0x3c: {  	p2 =	seq.s32 s10, $0x1;
	s10 =	sld [smem:$0x3FB5]  }
0x3d: {  	_ =	shalt  }
0x3e: {  	_ =	shalt  }
0x3f: {  	_ =	shalt  }
0x40: {  	_ =	shalt  }
0x41: {  	_ =	shalt  }
0x42: {  	_ =	shalt  }
0x43: {  	_ =	shalt  }
0x44: {  	_ =	shalt  }
0x45: {  	_ =	shalt  }
0x46: {  	_ =	shalt  }
0x47: {  	_ =	shalt  }
0x48: {  	_ =	shalt  }
0x49: {  	_ =	shalt  }
0x4a: {  	_ =	shalt  }
0x4b: {  	_ =	shalt  }
0x4c: {  	_ =	shalt  }
0x4d: {  	_ =	shalt  }
0x4e: {  	_ =	shalt  }
0x4f: {  	_ =	shalt  }
0x50: {  	_ =	shalt  }
0x51: {  	_ =	shalt  }
0x52: {  	_ =	shalt  }
0x53: {  	_ =	shalt  }
0x54: {  	_ =	shalt  }
0x55: {  	_ =	shalt  }
0x56: {  	_ =	shalt  }
0x57: {  	_ =	shalt  }
0x58: {  	_ =	shalt  }
0x59: {  	_ =	shalt  }
0x5a: {  	_ =	shalt  }
0x5b: {  	_ =	shalt  }
0x5c: {  	_ =	shalt  }
0x5d: {  	_ =	shalt  }
0x5e: {  	_ =	shalt  }
0x5f: {  	_ =	shalt  }
0x60: {  	_ =	shalt  }
0x61: {  	_ =	shalt  }
0x62: {  	_ =	shalt  }
0x63: {  	_ =	shalt  }
0x64: {  	_ =	shalt  }
0x65: {  	_ =	shalt  }
0x66: {  	_ =	shalt  }
0x67: {  	_ =	shalt  }
0x68: {  	_ =	shalt  }
0x69: {  	_ =	shalt  }
0x6a: {  	_ =	shalt  }
0x6b: {  	_ =	shalt  }
0x6c: {  	_ =	shalt  }
0x6d: {  	_ =	shalt  }
0x6e: {  	_ =	shalt  }
0x6f: {  	_ =	shalt  }
0x70: {  	_ =	shalt  }
0x71: {  	_ =	shalt  }
0x72: {  	_ =	shalt  }
0x73: {  	_ =	shalt  }
0x74: {  	_ =	shalt  }
0x75: {  	_ =	shalt  }
0x76: {  	_ =	shalt  }
0x77: {  	_ =	shalt  }
0x78: {  	_ =	shalt  }
0x79: {  	_ =	shalt  }
0x7a: {  	_ =	shalt  }
0x7b: {  	_ =	shalt  }
0x7c: {  	_ =	shalt  }
0x7d: {  	_ =	shalt  }
0x7e: {  	_ =	shalt  }
0x7f: {  	_ =	shalt  }
0x80: {  	_ =	shalt  }
0x81: {  	_ =	shalt  }
0x82: {  	_ =	shalt  }
0x83: {  	_ =	shalt  }
0x84: {  	_ =	shalt  }
0x85: {  	_ =	shalt  }
0x86: {  	_ =	shalt  }
0x87: {  	_ =	shalt  }
.Lfunc_end0:
.L_simem_size_0:
called_computation.1_lowered:
.L_overlay_start_0:
0x88: {  	s2 =	sld [smem:$0x3FD9]  }
0x89: {  	s3 =	sld [smem:$0x3FFE];
	_ =	sdelay $0x1  }
0x8a: {  	s1 =	srdreg.scid  }
0x8b: {  	s0 =	sand.u32 $0x1, s1  }
0x8c: {  	s17 =	sshll.u32 s0, $0xA;
	s2 =	sadd.s32 s3, s2  }
0x8d: {  	s2 =	sadd.s32 s2, s17  }
0x8e: {  	[smem:$0x3FC1] =	sst s2  }
0x8f: {  	_ = 	snop  }
0x90: {  	s2 =	sld [smem:$0x3FD0];
	(tm) =	ssettm $0x1  }
0x91: {  	s18 =	sld [smem:$0x3FFB];
	_ =	sdelay $0x3  }
0x92: {  	_ =	strace s18  }
0x93: {  	s3 =	sld [smem:$0x3FFC];
	_ =	sdelay $0x3  }
0x94: {  	_ =	strace s3  }
0x95: {  	s3 =	sld [smem:$0x3FFD];
	_ =	sdelay $0x3  }
0x96: {  	_ =	strace s3  }
0x97: {  	_ =	strace $0x8FFFFFFF  }
0x98: {  	s19 =	sld [smem:$0x3FDB];
	_ =	sdelay $0x1  }
0x99: {  	s4 =	simm.s32 $_scs_section_size  }
0x9a: {  	s5 =	simm.s32 $_size__tile_overlayer_lowered;
	s6 =	simm.s32 $_tile_overlayer_lowered  }
0x9b: {  	s22 =	simm.s32 $0x1BFF;
	s21 =	sshll.u32 s6, $0x1;
	s3 =	sadd.s32 s4, s19  }
0x9c: {  	s7 =	simm.s32 $0x0;
	s20 =	sshll.u32 s5, $0x1;
	s5 =	sadd.s32 s21, s3  }
0x9d: {  	[timem:s7], [sflag:s22] =	dma.local [hbm:s5], s20  }
0x9e: {  	_ =	swait.ge [sflag:s22], s20  }
0x9f: {  	s4 =	ssub.s32 $0x0, s20;
	[sflag:s22] =	ssyncset.done $0x0  }
0xa0: {  	[sflag:s22] =	ssyncadd.s32 s4;
	_ =	sdelay $0x1  }
0xa1: {  	s23 =	simm.s32 $0x1B8B  }
0xa2: {  	_ =	swait.ge [sflag:s23], $0x1  }
0xa3: {  	[sflag:s23] =	ssyncset.done $0x0  }
0xa4: {  	s25 =	simm.s32 $0x1B8E;
	s24 =	sld [smem:$0x3FFE];
	[sflag:s23] =	ssyncadd.s32 $0xFFFFFFFF  }
0xa5: {  	s26 =	simm.s32 $execute0_lowered;
	[smem:$0x3FD2] =	sst s25  }
0xa6: {  	s5 =	sshll.u32 s26, $0x1;
	_ =	strace $0x80000049;
	[dreg:$0x1] =	wrdreg $0xFFFFFFFF  }
0xa7: {  	s28 =	simm.s32 $_size_execute0_lowered;
	s3 =	sadd.s32 s3, s5;
	[dreg:$0x0] =	wrdreg $0x0  }
0xa8: {  	s5 =	sshll.u32 s28, $0x1;
	[dreg:$0x2] =	wrdreg s3  }
0xa9: {  	[dreg:$0x3] =	wrdreg s5  }
0xaa: {  	[dreg:$0x4] =	wrdreg $0xC0  }
0xab: {  	_ =	task [dreg:s7], $0x5FFFF  }
0xac: {  	[dreg:$0x1] =	wrdreg $0xFFFFFFFF  }
0xad: {  	[dreg:$0x0] =	wrdreg $0x60  }
0xae: {  	[dreg:$0x2] =	wrdreg s24  }
0xaf: {  	[dreg:$0x3] =	wrdreg s2  }
0xb0: {  	[dreg:$0x4] =	wrdreg $0x0  }
0xb1: {  	[dreg:$0x5] =	wrdreg $0x140000  }
0xb2: {  	[dreg:$0x6] =	wrdreg $0x9  }
0xb3: {  	_ =	task.clear_ibuf [dreg:s7], $0x7FFFF;
	_ =	strace $0x90000049  }
0xb4: {  	s29 =	simm.s32 $0x9;
	_ =	strace $0x8000004B  }
0xb5: {  	_ =	swait.ge [sflag:s29], $0x1  }
0xb6: {  	[sflag:s29] =	ssyncadd.s32 $0xFFFFFFFF  }
0xb7: {  	_ =	strace $0x9000004B  }
0xb8: {  	_ =	sfence  }
0xb9: {  	s30 =	sld [smem:$0x0];
	_ =	sdelay $0x2  }
0xba: {  	s31 =	sshll.u32 s1, $0xD;
	s1 =	sshrl.u32 s1, $0x2  }
0xbb: {  	s3 =	sand.u32 $0x4000, s31;
	s1 =	sadd.s32 s1, s30  }
0xbc: {  	s0 =	sor.u32 s3, s0;
	s1 =	sshll.u32 s1, $0x11  }
0xbd: {  	s0 =	sor.u32 s1, s0  }
0xbe: {  	s0 =	sadd.s32 $0x8F2B, s0  }
0xbf: {  	[sflag:s0] =	ssyncadd.remote.s32 $0x1  }
0xc0: {  	_ =	sfence.sel $0xFFFF  }
0xc1: {  	[dreg:$0x0] =	wrdreg $0xFFFFFFFF;
	(pc) =	sbr.abs _section_cstart, $3  }
0xc2: {  	[dreg:$0x1] =	wrdreg $0xFFFFFFFF  }
0xc3: {  	_ =	task.clear_ibuf [dreg:s7], $0x2FFFF;
	_ =	strace $0x9FFFFFFF  }
0xc4: {  	(tm) =	ssettm $0x7FFFFFFF  }
0xc5: {  	_ =	shalt  }
tec
execute0_lowered:
.L_overlay_start_1:
0x0: {  	(tag) =	ssettag $0x1  }
0x1: {  	s13 =	stileid.u32  }
0x2: {  	s5 =	smul.u32 $0x280, s13  }
0x3: {  	s0 =	srdreg.scid;
	s10 =	smul.u32 $0x14000, s13  }
0x4: {  	s2 =	rddreg [dreg:$0x0];
	s0 =	sand.u32 $0x1, s0;
	s31 =	smul.u32 $0x2800, s13  }
0x5: {  	s4 =	rddreg [dreg:$0x1];
	s1 =	sshll.u32 s13, $0x1;
	s7 =	smul.u32 $0x140000, s0  }
0x6: {  	s1 =	sor.u32 s0, s1;
	s6 =	ssub.s32 $0x2, s0;
	s0 =	smul.u32 $0x28000, s0  }
0x7: {  	s9 =	sadd.s32 $0x47A00, s2;
	s3 =	smul.u32 $0x500, s1;
	s1 =	simm.s32 $0x0  }
0x8: {  	s8 =	sshrl.u32 s6, $0x1;
	s18 =	sadd.s32 $0x80, s5;
	s19 =	sadd.s32 $0x100, s5  }
0x9: {  	s11 =	sadd.s32 $0x180, s5;
	s5 =	sadd.s32 $0x200, s5;
	[smem:$0x7FF] =	sst s1  }
0xa: {  	s6 =	ssub.s32 s6, s8;
	s22 =	sshll.u32 s18, $0x7;
	s23 =	sshll.u32 s18, $0x4  }
0xb: {  	s24 =	sshll.u32 s19, $0x7;
	s25 =	sshll.u32 s19, $0x4;
	s26 =	sshll.u32 s11, $0x7  }
0xc: {  	s28 =	sshll.u32 s11, $0x4;
	s20 =	sadd.s32 s7, s10;
	s21 =	sadd.s32 s0, s31  }
0xd: {  	s29 =	sshll.u32 s5, $0x7;
	s5 =	sshll.u32 s5, $0x4;
	s8 =	sshrl.u32 s20, $0x3  }
0xe: {  	s11 =	sshrl.u32 s21, $0x3;
	s14 =	sadd.s32 s7, s22;
	s15 =	sadd.s32 s0, s23  }
0xf: {  	s18 =	sadd.s32 s0, s25;
	s19 =	sadd.s32 s7, s26;
	s21 =	sadd.s32 s0, s28  }
0x10: {  	s0 =	sadd.s32 s0, s5;
	s8 =	sadd.s32 s9, s8;
	s12 =	sadd.s32 s4, s11  }
0x11: {  	s11 =	sshrl.u32 s15, $0x3;
	s0 =	sshrl.u32 s0, $0x3;
	[dreg:$0x5] =	wrdreg s8  }
0x12: {  	s15 =	sadd.s32 $0xBA00, s2;
	[dreg:$0x6] =	wrdreg s12;
	s12 =	sadd.s32 s7, s24  }
0x13: {  	s8 =	sshrl.u32 s14, $0x3;
	s16 =	sadd.s32 s4, s11;
	s7 =	sadd.s32 s7, s29  }
0x14: {  	s11 =	sshrl.u32 s19, $0x3;
	s14 =	sadd.s32 s4, s0;
	s19 =	smax.u32 s6, $0x1  }
0x15: {  	s0 =	simm.s32 $0x2;
	s12 =	sshrl.u32 s12, $0x3;
	[dreg:$0x8] =	wrdreg s16  }
0x16: {  	s8 =	sadd.s32 s9, s8;
	s20 =	sadd.s32 s9, s11;
	s11 =	rddreg [dreg:$0x2]  }
0x17: {  	s7 =	sshrl.u32 s7, $0x3;
	[dreg:$0x7] =	wrdreg s8;
	s17 =	sadd.s32 s9, s12  }
0x18: {  	[dreg:$0xb] =	wrdreg s20;
	s7 =	sadd.s32 s9, s7;
	s9 =	smul.u32 $0x50000, s13  }
0x19: {  	s8 =	sshrl.u32 s18, $0x3;
	s12 =	rddreg [dreg:$0x3];
	s13 =	smul.u32 $0xA000, s13  }
0x1a: {  	s18 =	sadd.s32 s10, s11;
	s22 =	sadd.s32 s22, s11;
	s24 =	sadd.s32 s24, s11  }
0x1b: {  	s26 =	sadd.s32 s26, s11;
	s29 =	sadd.s32 s29, s11;
	[dreg:$0x9] =	wrdreg s17  }
0x1c: {  	s10 =	simm.s32 $0x16800;
	s8 =	sadd.s32 s4, s8;
	[dreg:$0xc] =	wrdreg s7  }
0x1d: {  	s7 =	sshrl.u32 s21, $0x3;
	s23 =	sadd.s32 s23, s12;
	s25 =	sadd.s32 s25, s12  }
0x1e: {  	s28 =	sadd.s32 s28, s12;
	s30 =	sadd.s32 s5, s12;
	s31 =	sadd.s32 s31, s12  }
0x1f: {  	s5 =	simm.s32 $0x0;
	[dreg:$0xa] =	wrdreg s8;
	s7 =	sadd.s32 s4, s7  }
0x20: {  	s8 =	sadd.s32 s3, s2;
	s20 =	sshrl.u32 s9, $0x2;
	s21 =	sshrl.u32 s13, $0x2  }
0x21: {  	s2 =	simm.s32 $0x1F800;
	s3 =	simm.s32 $0x80;
	s4 =	simm.s32 $0x1  }
0x22: {  	[dreg:$0xd] =	wrdreg s7;
	s16 =	sadd.s32 $0x33A00, s8;
	s17 =	sadd.s32 $0x3DA00, s8  }
0x23: {  	v0 =	vimm.f32 $0.0e+00;
	v1 =	vimm.f32 $1.000000000e+00;
	s20 =	sadd.s32 s20, s11;
	s21 =	sadd.s32 s21, s12;
	_ =	strace $0x8000004A  }
.LBB2_1:
0x24: {  	s6 =	simm.s32 $0x0;
	s7 =	simm.s32 $0x200  }
.LBB2_2:
0x25: {  	p0 =	sne.s32 s7, $0xFE00;
	[tilespmem:s6+$0x16870] =	vst v0  }
0x26: {  	[tilespmem:s6+$0x16800] =	vst v0  }
0x27: {  	[tilespmem:s6+$0x16810] =	vst v0  }
.Ltmp0:
0x28: {  	[tilespmem:s6+$0x16820] =	vst v0;
	(pc) =	sbr.rel @p0 .LBB2_2-.Ltmp0, $4  }
0x29: {  	[tilespmem:s6+$0x16830] =	vst v0  }
0x2a: {  	[tilespmem:s6+$0x16840] =	vst v0  }
0x2b: {  	[tilespmem:s6+$0x16850] =	vst v0  }
0x2c: {  	[tilespmem:s6+$0x16860] =	vst v0;
	s6 =	sshra.s32 s7, $0x2;
	s7 =	sadd.s32 $0x200, s7  }
0x2d: {  	[tilespmem:s6+$0x16870] =	vst v0  }
0x2e: {  	[tilespmem:s6+$0x16800] =	vst v0  }
0x2f: {  	[tilespmem:s6+$0x16810] =	vst v0  }
0x30: {  	[tilespmem:s6+$0x16820] =	vst v0  }
0x31: {  	[tilespmem:s6+$0x16830] =	vst v0  }
0x32: {  	[tilespmem:s6+$0x16840] =	vst v0  }
0x33: {  	[tilespmem:s6+$0x16850] =	vst v0  }
0x34: {  	[tilespmem:s6+$0x16860] =	vst v0;
	s6 =	simm.s32 $0x40;
	s7 =	simm.s32 $0x0  }
.LBB2_4:
0x35: {  	p0 =	sne.s32 s6, $0x1FC0;
	[tilespmem:s7+$0x1F800] =	vst v0;
	s7 =	smov.u32 s6;
	s6 =	sadd.s32 $0x40, s6  }
.Ltmp1:
0x36: {  	(pc) =	sbr.rel @p0 .LBB2_4-.Ltmp1, $2  }
0x37: {  	_ =	sdelay $0x2  }
0x38: {  	s7 =	sshra.s32 s7, $0x2  }
0x39: {  	[tilespmem:s7+$0x1F800] =	vst v0  }
0x3a: {  	[spmem:s20] =	stream.linear.scatter [tilespmem:s10], [sflag:$0x2], $0x4000, $0x38;
	v63 =	vld [tilespmem:$0x0]  }
0x3b: {  	_ =	swait.ge [sflag:s0], $0x4000  }
0x3c: {  	[sflag:s0] =	ssyncset.done $0x0  }
0x3d: {  	[sflag:s0] =	ssyncadd.s32 $0xFFFFC000  }
0x3e: {  	[spmem:s21] =	stream.linear.scatter [tilespmem:s2], [sflag:$0x2], $0x800, $0x38;
	v63 =	vld [tilespmem:$0x0]  }
0x3f: {  	_ =	swait.ge [sflag:s0], $0x800  }
0x40: {  	[sflag:s0] =	ssyncset.done $0x0  }
0x41: {  	[sflag:s0] =	ssyncadd.s32 $0xFFFFF800  }
0x42: {  	[spmem:s22] =	stream.linear.scatter [tilespmem:s10], [sflag:$0x2], $0x4000, $0x38;
	v63 =	vld [tilespmem:$0x0]  }
0x43: {  	_ =	swait.ge [sflag:s0], $0x4000  }
0x44: {  	[sflag:s0] =	ssyncset.done $0x0  }
0x45: {  	[sflag:s0] =	ssyncadd.s32 $0xFFFFC000  }
0x46: {  	[spmem:s23] =	stream.linear.scatter [tilespmem:s2], [sflag:$0x2], $0x800, $0x38;
	v63 =	vld [tilespmem:$0x0]  }
0x47: {  	_ =	swait.ge [sflag:s0], $0x800  }
0x48: {  	[sflag:s0] =	ssyncset.done $0x0  }
0x49: {  	[sflag:s0] =	ssyncadd.s32 $0xFFFFF800  }
0x4a: {  	[spmem:s24] =	stream.linear.scatter [tilespmem:s10], [sflag:$0x2], $0x4000, $0x38;
	v63 =	vld [tilespmem:$0x0]  }
0x4b: {  	_ =	swait.ge [sflag:s0], $0x4000  }
0x4c: {  	[sflag:s0] =	ssyncset.done $0x0  }
0x4d: {  	[sflag:s0] =	ssyncadd.s32 $0xFFFFC000  }
0x4e: {  	[spmem:s25] =	stream.linear.scatter [tilespmem:s2], [sflag:$0x2], $0x800, $0x38;
	v63 =	vld [tilespmem:$0x0]  }
0x4f: {  	_ =	swait.ge [sflag:s0], $0x800  }
0x50: {  	[sflag:s0] =	ssyncset.done $0x0  }
0x51: {  	[sflag:s0] =	ssyncadd.s32 $0xFFFFF800  }
0x52: {  	[spmem:s26] =	stream.linear.scatter [tilespmem:s10], [sflag:$0x2], $0x4000, $0x38;
	v63 =	vld [tilespmem:$0x0]  }
0x53: {  	_ =	swait.ge [sflag:s0], $0x4000  }
0x54: {  	[sflag:s0] =	ssyncset.done $0x0  }
0x55: {  	[sflag:s0] =	ssyncadd.s32 $0xFFFFC000  }
0x56: {  	[spmem:s28] =	stream.linear.scatter [tilespmem:s2], [sflag:$0x2], $0x800, $0x38;
	v63 =	vld [tilespmem:$0x0]  }
0x57: {  	_ =	swait.ge [sflag:s0], $0x800  }
0x58: {  	[sflag:s0] =	ssyncset.done $0x0  }
0x59: {  	[sflag:s0] =	ssyncadd.s32 $0xFFFFF800  }
0x5a: {  	[spmem:s29] =	stream.linear.scatter [tilespmem:s10], [sflag:$0x2], $0x4000, $0x38;
	v63 =	vld [tilespmem:$0x0]  }
0x5b: {  	_ =	swait.ge [sflag:s0], $0x4000  }
0x5c: {  	[sflag:s0] =	ssyncset.done $0x0  }
0x5d: {  	[sflag:s0] =	ssyncadd.s32 $0xFFFFC000  }
0x5e: {  	[spmem:s30] =	stream.linear.scatter [tilespmem:s2], [sflag:$0x2], $0x800, $0x38;
	v63 =	vld [tilespmem:$0x0]  }
0x5f: {  	_ =	swait.ge [sflag:s0], $0x800  }
0x60: {  	[sflag:s0] =	ssyncset.done $0x0  }
0x61: {  	s6 =	simm.s32 $0x40;
	s7 =	simm.s32 $0x0;
	[sflag:s0] =	ssyncadd.s32 $0xFFFFF800  }
.LBB2_6:
0x62: {  	p0 =	sne.s32 s6, $0x1FC0;
	[tilespmem:s7+$0x1F800] =	vst v1;
	s7 =	smov.u32 s6;
	s6 =	sadd.s32 $0x40, s6  }
.Ltmp2:
0x63: {  	(pc) =	sbr.rel @p0 .LBB2_6-.Ltmp2, $2  }
0x64: {  	_ =	sdelay $0x2  }
0x65: {  	s7 =	sshra.s32 s7, $0x2  }
0x66: {  	[tilespmem:s7+$0x1F800] =	vst v1  }
0x67: {  	s6 =	simm.s32 $0x0;
	s13 =	simm.s32 $0x1A800;
	[bflag:$0x0] =	sbarrier.arrive $0xFFFF  }
0x68: {  	[tilespmem:s13], [sflag:$0x2] =	stream.linear.gather [hbm4b:s16+s6], $0x2800, $0x38;
	v63 =	vld [tilespmem:$0x0]  }
0x69: {  	_ =	swait.ge [sflag:s0], $0x2800  }
0x6a: {  	[sflag:s0] =	ssyncset.done $0x0  }
0x6b: {  	s8 =	simm.s32 $0x1D000;
	[sflag:s0] =	ssyncadd.s32 $0xFFFFD800  }
0x6c: {  	[tilespmem:s8], [sflag:$0x2] =	stream.linear.gather [hbm4b:s17+s6], $0x2800, $0x38;
	v63 =	vld [tilespmem:$0x0]  }
0x6d: {  	_ =	swait.ge [sflag:s0], $0x2800  }
0x6e: {  	[sflag:s0] =	ssyncset.done $0x0  }
0x6f: {  	s9 =	simm.s32 $0x1A800;
	[sflag:s0] =	ssyncadd.s32 $0xFFFFD800  }
0x70: {  	[tilespmem:s10], [sflag:$0x1] =	stream.indirect.gather [hbm4b:s15+s3], $0x80, s9, s3, $0xb8;
	v63 =	vld [tilespmem:$0x0]  }
0x71: {  	_ =	swait.ge [sflag:s4], $0x4000  }
0x72: {  	[sflag:s4] =	ssyncset.done $0x0  }
0x73: {  	s13 =	simm.s32 $0x1D000;
	[sflag:s4] =	ssyncadd.s32 $0xFFFFC000  }
0x74: {  	[spmem:s11] =	stream.indirect.scatter.add.f32 [tilespmem:s10], [sflag:$0x2], $0x80, s13, s3, $0xb8;
	v63 =	vld [tilespmem:$0x0]  }
0x75: {  	_ =	swait.ge [sflag:s0], $0x4000  }
0x76: {  	[sflag:s0] =	ssyncset.done $0x0  }
0x77: {  	[sflag:s0] =	ssyncadd.s32 $0xFFFFC000  }
0x78: {  	[spmem:s12] =	stream.indirect.scatter.add.f32 [tilespmem:s2], [sflag:$0x2], $0x10, s13, s3, $0xb8;
	v63 =	vld [tilespmem:$0x0]  }
0x79: {  	_ =	swait.ge [sflag:s0], $0x800  }
0x7a: {  	s7 =	simm.s32 $0x400;
	s6 =	simm.s32 $0x80;
	[sflag:s0] =	ssyncset.done $0x0  }
.LBB2_8:
0x7b: {  	s8 =	sadd.s32 $0x1A800, s6  }
0x7c: {  	[sflag:s0] =	ssyncadd.s32 $0xFFFFF800;
	s9 =	smov.u32 s7;
	s13 =	sadd.s32 $0x200, s7  }
0x7d: {  	[tilespmem:s10], [sflag:$0x1] =	stream.indirect.gather [hbm4b:s15+s3], $0x80, s8, s3, $0xb8;
	v63 =	vld [tilespmem:$0x0]  }
0x7e: {  	p0 =	sne.s32 s7, $0x9E00;
	_ =	swait.ge [sflag:s4], $0x4000  }
0x7f: {  	[sflag:s4] =	ssyncset.done $0x0  }
0x80: {  	s6 =	sadd.s32 $0x1D000, s6;
	[sflag:s4] =	ssyncadd.s32 $0xFFFFC000  }
0x81: {  	[spmem:s11] =	stream.indirect.scatter.add.f32 [tilespmem:s10], [sflag:$0x2], $0x80, s6, s3, $0xb8;
	v63 =	vld [tilespmem:$0x0]  }
0x82: {  	_ =	swait.ge [sflag:s0], $0x4000  }
.Ltmp3:
0x83: {  	[sflag:s0] =	ssyncset.done $0x0;
	(pc) =	sbr.rel @p0 .LBB2_8-.Ltmp3, $4  }
0x84: {  	[sflag:s0] =	ssyncadd.s32 $0xFFFFC000  }
0x85: {  	[spmem:s12] =	stream.indirect.scatter.add.f32 [tilespmem:s2], [sflag:$0x2], $0x10, s6, s3, $0xb8;
	v63 =	vld [tilespmem:$0x0]  }
0x86: {  	_ =	swait.ge [sflag:s0], $0x800  }
0x87: {  	s7 =	smov.u32 s13;
	s6 =	sshra.s32 s9, $0x2;
	[sflag:s0] =	ssyncset.done $0x0  }
0x88: {  	s7 =	sadd.s32 $0x1A800, s6;
	[sflag:s0] =	ssyncadd.s32 $0xFFFFF800  }
0x89: {  	[tilespmem:s10], [sflag:$0x1] =	stream.indirect.gather [hbm4b:s15+s3], $0x80, s7, s3, $0xb8;
	v63 =	vld [tilespmem:$0x0]  }
0x8a: {  	_ =	swait.ge [sflag:s4], $0x4000  }
0x8b: {  	[sflag:s4] =	ssyncset.done $0x0  }
0x8c: {  	s9 =	sadd.s32 $0x1D000, s6;
	[sflag:s4] =	ssyncadd.s32 $0xFFFFC000  }
0x8d: {  	[spmem:s11] =	stream.indirect.scatter.add.f32 [tilespmem:s10], [sflag:$0x2], $0x80, s9, s3, $0xb8;
	v63 =	vld [tilespmem:$0x0]  }
0x8e: {  	_ =	swait.ge [sflag:s0], $0x4000  }
0x8f: {  	[sflag:s0] =	ssyncset.done $0x0  }
0x90: {  	[sflag:s0] =	ssyncadd.s32 $0xFFFFC000  }
0x91: {  	[spmem:s12] =	stream.indirect.scatter.add.f32 [tilespmem:s2], [sflag:$0x2], $0x10, s9, s3, $0xb8;
	v63 =	vld [tilespmem:$0x0]  }
0x92: {  	_ =	swait.ge [sflag:s0], $0x800  }
0x93: {  	[sflag:s0] =	ssyncset.done $0x0  }
0x94: {  	[sflag:s0] =	ssyncadd.s32 $0xFFFFF800  }
0x95: {  	[bflag:$0x0] =	sbarrier.arrive $0xFFFF  }
0x96: {  	[tilespmem:s10], [sflag:$0x2] =	stream.linear.gather [spmem:s18], $0x4000, $0x38;
	v63 =	vld [tilespmem:$0x0]  }
0x97: {  	_ =	swait.ge [sflag:s0], $0x4000  }
0x98: {  	[sflag:s0] =	ssyncset.done $0x0  }
0x99: {  	s13 =	rddreg [dreg:$0x5];
	[sflag:s0] =	ssyncadd.s32 $0xFFFFC000  }
0x9a: {  	[hbm4b:s13+s1] =	stream.linear.scatter [tilespmem:s10], [sflag:$0x2], $0x4000, $0x38;
	v63 =	vld [tilespmem:$0x0]  }
0x9b: {  	_ =	swait.ge [sflag:s0], $0x4000  }
0x9c: {  	[sflag:s0] =	ssyncset.done $0x0  }
0x9d: {  	[sflag:s0] =	ssyncadd.s32 $0xFFFFC000  }
0x9e: {  	[tilespmem:s2], [sflag:$0x2] =	stream.linear.gather [spmem:s31], $0x800, $0x38;
	v63 =	vld [tilespmem:$0x0]  }
0x9f: {  	_ =	swait.ge [sflag:s0], $0x800  }
0xa0: {  	[sflag:s0] =	ssyncset.done $0x0  }
0xa1: {  	s7 =	rddreg [dreg:$0x6];
	[sflag:s0] =	ssyncadd.s32 $0xFFFFF800  }
0xa2: {  	[hbm4b:s7+s1] =	stream.linear.scatter [tilespmem:s2], [sflag:$0x2], $0x800, $0x38;
	v63 =	vld [tilespmem:$0x0]  }
0xa3: {  	_ =	swait.ge [sflag:s0], $0x800  }
0xa4: {  	[sflag:s0] =	ssyncset.done $0x0  }
0xa5: {  	[sflag:s0] =	ssyncadd.s32 $0xFFFFF800  }
0xa6: {  	[tilespmem:s10], [sflag:$0x2] =	stream.linear.gather [spmem:s22], $0x4000, $0x38;
	v63 =	vld [tilespmem:$0x0]  }
0xa7: {  	_ =	swait.ge [sflag:s0], $0x4000  }
0xa8: {  	[sflag:s0] =	ssyncset.done $0x0  }
0xa9: {  	s8 =	rddreg [dreg:$0x7];
	[sflag:s0] =	ssyncadd.s32 $0xFFFFC000  }
0xaa: {  	[hbm4b:s8+s1] =	stream.linear.scatter [tilespmem:s10], [sflag:$0x2], $0x4000, $0x38;
	v63 =	vld [tilespmem:$0x0]  }
0xab: {  	_ =	swait.ge [sflag:s0], $0x4000  }
0xac: {  	[sflag:s0] =	ssyncset.done $0x0  }
0xad: {  	[sflag:s0] =	ssyncadd.s32 $0xFFFFC000  }
0xae: {  	[tilespmem:s2], [sflag:$0x2] =	stream.linear.gather [spmem:s23], $0x800, $0x38;
	v63 =	vld [tilespmem:$0x0]  }
0xaf: {  	_ =	swait.ge [sflag:s0], $0x800  }
0xb0: {  	[sflag:s0] =	ssyncset.done $0x0  }
0xb1: {  	s9 =	rddreg [dreg:$0x8];
	[sflag:s0] =	ssyncadd.s32 $0xFFFFF800  }
0xb2: {  	[hbm4b:s9+s1] =	stream.linear.scatter [tilespmem:s2], [sflag:$0x2], $0x800, $0x38;
	v63 =	vld [tilespmem:$0x0]  }
0xb3: {  	_ =	swait.ge [sflag:s0], $0x800  }
0xb4: {  	[sflag:s0] =	ssyncset.done $0x0  }
0xb5: {  	[sflag:s0] =	ssyncadd.s32 $0xFFFFF800  }
0xb6: {  	[tilespmem:s10], [sflag:$0x2] =	stream.linear.gather [spmem:s24], $0x4000, $0x38;
	v63 =	vld [tilespmem:$0x0]  }
0xb7: {  	_ =	swait.ge [sflag:s0], $0x4000  }
0xb8: {  	[sflag:s0] =	ssyncset.done $0x0  }
0xb9: {  	s13 =	rddreg [dreg:$0x9];
	[sflag:s0] =	ssyncadd.s32 $0xFFFFC000  }
0xba: {  	[hbm4b:s13+s1] =	stream.linear.scatter [tilespmem:s10], [sflag:$0x2], $0x4000, $0x38;
	v63 =	vld [tilespmem:$0x0]  }
0xbb: {  	_ =	swait.ge [sflag:s0], $0x4000  }
0xbc: {  	[sflag:s0] =	ssyncset.done $0x0  }
0xbd: {  	[sflag:s0] =	ssyncadd.s32 $0xFFFFC000  }
0xbe: {  	[tilespmem:s2], [sflag:$0x2] =	stream.linear.gather [spmem:s25], $0x800, $0x38;
	v63 =	vld [tilespmem:$0x0]  }
0xbf: {  	_ =	swait.ge [sflag:s0], $0x800  }
0xc0: {  	[sflag:s0] =	ssyncset.done $0x0  }
0xc1: {  	s7 =	rddreg [dreg:$0xa];
	[sflag:s0] =	ssyncadd.s32 $0xFFFFF800  }
0xc2: {  	[hbm4b:s7+s1] =	stream.linear.scatter [tilespmem:s2], [sflag:$0x2], $0x800, $0x38;
	v63 =	vld [tilespmem:$0x0]  }
0xc3: {  	_ =	swait.ge [sflag:s0], $0x800  }
0xc4: {  	[sflag:s0] =	ssyncset.done $0x0  }
0xc5: {  	[sflag:s0] =	ssyncadd.s32 $0xFFFFF800  }
0xc6: {  	[tilespmem:s10], [sflag:$0x2] =	stream.linear.gather [spmem:s26], $0x4000, $0x38;
	v63 =	vld [tilespmem:$0x0]  }
0xc7: {  	_ =	swait.ge [sflag:s0], $0x4000  }
0xc8: {  	[sflag:s0] =	ssyncset.done $0x0  }
0xc9: {  	s8 =	rddreg [dreg:$0xb];
	[sflag:s0] =	ssyncadd.s32 $0xFFFFC000  }
0xca: {  	[hbm4b:s8+s1] =	stream.linear.scatter [tilespmem:s10], [sflag:$0x2], $0x4000, $0x38;
	v63 =	vld [tilespmem:$0x0]  }
0xcb: {  	_ =	swait.ge [sflag:s0], $0x4000  }
0xcc: {  	[sflag:s0] =	ssyncset.done $0x0  }
0xcd: {  	[sflag:s0] =	ssyncadd.s32 $0xFFFFC000  }
0xce: {  	[tilespmem:s2], [sflag:$0x2] =	stream.linear.gather [spmem:s28], $0x800, $0x38;
	v63 =	vld [tilespmem:$0x0]  }
0xcf: {  	_ =	swait.ge [sflag:s0], $0x800  }
0xd0: {  	[sflag:s0] =	ssyncset.done $0x0  }
0xd1: {  	s9 =	rddreg [dreg:$0xd];
	[sflag:s0] =	ssyncadd.s32 $0xFFFFF800  }
0xd2: {  	[hbm4b:s9+s1] =	stream.linear.scatter [tilespmem:s2], [sflag:$0x2], $0x800, $0x38;
	v63 =	vld [tilespmem:$0x0]  }
0xd3: {  	_ =	swait.ge [sflag:s0], $0x800  }
0xd4: {  	[sflag:s0] =	ssyncset.done $0x0  }
0xd5: {  	[sflag:s0] =	ssyncadd.s32 $0xFFFFF800  }
0xd6: {  	[tilespmem:s10], [sflag:$0x2] =	stream.linear.gather [spmem:s29], $0x4000, $0x38;
	v63 =	vld [tilespmem:$0x0]  }
0xd7: {  	_ =	swait.ge [sflag:s0], $0x4000  }
0xd8: {  	[sflag:s0] =	ssyncset.done $0x0  }
0xd9: {  	s13 =	rddreg [dreg:$0xc];
	[sflag:s0] =	ssyncadd.s32 $0xFFFFC000  }
0xda: {  	[hbm4b:s13+s1] =	stream.linear.scatter [tilespmem:s10], [sflag:$0x2], $0x4000, $0x38;
	v63 =	vld [tilespmem:$0x0]  }
0xdb: {  	_ =	swait.ge [sflag:s0], $0x4000  }
0xdc: {  	[sflag:s0] =	ssyncset.done $0x0  }
0xdd: {  	[sflag:s0] =	ssyncadd.s32 $0xFFFFC000  }
0xde: {  	[tilespmem:s2], [sflag:$0x2] =	stream.linear.gather [spmem:s30], $0x800, $0x38;
	v63 =	vld [tilespmem:$0x0]  }
0xdf: {  	s5 =	sadd.s32 $0x1, s5;
	_ =	swait.ge [sflag:s0], $0x800  }
0xe0: {  	p0 =	sne.s32 s5, s19;
	[sflag:s0] =	ssyncset.done $0x0  }
.Ltmp4:
0xe1: {  	[sflag:s0] =	ssyncadd.s32 $0xFFFFF800;
	(pc) =	sbr.rel @p0 .LBB2_1-.Ltmp4, $4  }
0xe2: {  	[hbm4b:s14+s1] =	stream.linear.scatter [tilespmem:s2], [sflag:$0x2], $0x800, $0x38;
	v63 =	vld [tilespmem:$0x0]  }
0xe3: {  	_ =	swait.ge [sflag:s0], $0x800  }
0xe4: {  	[sflag:s0] =	ssyncset.done $0x0  }
0xe5: {  	[sflag:s0] =	ssyncadd.s32 $0xFFFFF800  }
0xe6: {  	_ =	sfence.sel $0x180000  }
0xe7: {  	[bflag:$0x0] =	sbarrier.arrive $0xFFFF  }
0xe8: {  	_ =	strace $0x9000004A  }
0xe9: {  	s0 =	stileid.u32;
	[bflag:$0x2] =	sbarrier.arrive $0xFFFF  }
0xea: {  	p0 =	sne.s32 s0, $0x0;
	s0 =	rddreg [dreg:$0x4]  }
0xeb: {  	s0 =	sadd.s32 @!p0 $0x100000, s0  }
0xec: {  	[sflag:s0] =	ssyncadd.tile.s32 @!p0 $0x1;
	_ =	shalt  }
.Lfunc_end2:
_tile_overlayer_lowered:
.L_overlay_start_2:
0xed: {  	(tag) =	ssettag $0x2  }
0xee: {  	s0 =	rddreg [dreg:$0x0];
	s2 =	stileid.u32  }
0xef: {  	s1 =	rddreg [dreg:$0x1];
	p0 =	sne.s32 s2, $0x0  }
0xf0: {  	s3 =	rddreg [dreg:$0x2];
	[bflag:$0x3] =	sbarrier.arrive $0xFFFF;
	s2 =	simm.s32 @!p0 $0x1C02  }
0xf1: {  	[timem:s3], [sflag:s2] =	dma.local @!p0 [hbm:s0], s1  }
0xf2: {  	s0 =	simm.s32 @!p0 $0x2  }
0xf3: {  	_ =	swait.ge @!p0 [sflag:s0], s1  }
0xf4: {  	s1 =	ssub.s32 @!p0 $0x0, s1;
	[sflag:s0] =	ssyncset.done @!p0 $0x0  }
0xf5: {  	[sflag:s0] =	ssyncadd.s32 @!p0 s1  }
0xf6: {  	[bflag:$0x3] =	sbarrier.arrive $0xFFFF  }
0xf7: {  	_ =	shalt  }

</sc_bundles>
